<compile_context>
chip_gen: v7x
topology: tpu7x:2x2x1
jax: 0.10.2.dev20260603
libtpu: 0.0.44.dev20260713+nightly
codegen_flags: <defaults>
</compile_context>

<pallas_src>
import jax
import jax.numpy as jnp
from jax import lax
from jax.experimental import pallas as pl
from jax.experimental.pallas import tpu as pltpu

_B = 32
_T = 27
_N = 27
_NN = _N * _N
_DE = 5
_DH = 32
_DW = 20
_NWK = 2000
_DDEC = 42

_KF = _N * _DE
_HF = _N * _DH
_TG = 27

_F32 = jnp.float32


def _edge_body(e_ref, wb_ref, o_ref):
    for i in range(_TG):
        o_ref[0, 0, i] = jnp.dot(e_ref[0, 0, i], wb_ref[...],
                                 preferred_element_type=_F32)


def _main_body(sidx_ref, widx_ref, em_ref, eedsq_ref, eedf_ref, esdsq_ref,
               esdf_ref, vt_ref, s_ref, vpt_ref, vdt_ref, vnum_ref, dm_ref,
               wtab_ref, wn_ref, ws_ref, bs_ref,
               eed_o, esd_o, nodeh_o, vval_o, vdy_o, dec_o, wt_o):
    sidx = sidx_ref[0]
    oh = (lax.broadcasted_iota(jnp.int32, (_T, _N), 1) == sidx).astype(_F32)
    eedg = jnp.dot(oh, eedsq_ref[0], preferred_element_type=_F32)
    esdg = jnp.dot(oh, esdsq_ref[0], preferred_element_type=_F32)
    sf = jnp.dot(oh, s_ref[0], preferred_element_type=_F32)
    t_c = sf[:, 3:4]

    dec_o[0] = jnp.dot(sf, ws_ref[...],
                       preferred_element_type=_F32) + bs_ref[...]

    dm = dm_ref[0]
    ch3 = vpt_ref[0] - t_c
    ch4 = t_c - vdt_ref[0]
    ch5 = eedg * dm
    ch6 = esdg * dm

    vdy_o[0, 0] = ch5
    vdy_o[0, 1] = ch6

    vval_o[0, 0] = vt_ref[0, 0:1, :] * dm
    vval_o[0, 1] = vt_ref[0, 1:2, :] * dm
    vval_o[0, 2] = vt_ref[0, 2:3, :] * dm
    vval_o[0, 3] = ch3 * dm
    vval_o[0, 4] = ch4 * dm
    vval_o[0, 5] = ch5 * dm
    vval_o[0, 6] = ch6 * dm
    vval_o[0, 7] = vnum_ref[0] * dm

    for t in range(_T):
        vv_t = vval_o[0, :, t, :]
        nodeh_o[0, t] = lax.dot_general(
            vv_t, wn_ref[...], (((0,), (0,)), ((), ())),
            preferred_element_type=_F32)

    em = em_ref[0]
    eed_o[0] = eedf_ref[0] * em
    esd_o[0] = esdf_ref[0] * em

    ohw = (lax.broadcasted_iota(jnp.int32, (1, _NWK), 1)
           == widx_ref[0]).astype(_F32)
    wt_o[0] = jnp.dot(ohw, wtab_ref[...], preferred_element_type=_F32)


def kernel(V, V_reach_mask, V_ft, V_pt, V_dt, V_num, V_dispatch_mask, E, E_ed,
           E_sd, E_mask, start_idx, cou, worker_table, W_node, W_edge, W_start,
           b_start):
    B, T, N = V_reach_mask.shape
    NN = N * N

    E_v = E.reshape(B, T // _TG, _TG, N, _KF).astype(jnp.bfloat16)
    W_big = jnp.kron(jnp.eye(_N, dtype=_F32), W_edge).astype(jnp.bfloat16)

    edge_v = pl.pallas_call(
        _edge_body,
        grid=(B, T // _TG),
        in_specs=[
            pl.BlockSpec((1, 1, _TG, N, _KF), lambda b, g: (b, g, 0, 0, 0)),
            pl.BlockSpec((_KF, _HF), lambda b, g: (0, 0)),
        ],
        out_specs=pl.BlockSpec((1, 1, _TG, N, _HF), lambda b, g: (b, g, 0, 0, 0)),
        out_shape=jax.ShapeDtypeStruct((B, T // _TG, _TG, N, _HF), _F32),
    )(E_v, W_big)
    b_edge_h = edge_v.reshape(B, T, N, N, _DH)

    Em_r = E_mask.reshape(B, T, NN)
    eedf = E_ed.reshape(B, 1, NN)
    esdf = E_sd.reshape(B, 1, NN)
    V_T = V.transpose(0, 2, 1)
    S = jnp.concatenate([V, V_ft[..., None], V_dt[..., None]], axis=2)
    vpt = V_pt.reshape(B, 1, N)
    vdt = V_dt.reshape(B, 1, N)
    sidx = start_idx.astype(jnp.int32).reshape(B, T, 1)
    widx = cou[:, 0].astype(jnp.int32).reshape(B, 1, 1)
    bs = b_start.reshape(1, _DDEC)

    full = lambda shp: pl.BlockSpec(shp, lambda b: (0,) * len(shp))
    per_b = lambda shp: pl.BlockSpec(shp, lambda b: (b,) + (0,) * (len(shp) - 1))

    in_specs = [
        per_b((1, T, 1)),
        per_b((1, 1, 1)),
        per_b((1, T, NN)),
        per_b((1, N, N)),
        per_b((1, 1, NN)),
        per_b((1, N, N)),
        per_b((1, 1, NN)),
        per_b((1, 3, N)),
        per_b((1, N, _DE)),
        per_b((1, 1, N)),
        per_b((1, 1, N)),
        per_b((1, T, N)),
        per_b((1, T, N)),
        full((_NWK, _DW)),
        full((8, _DH)),
        full((_DE, _DDEC)),
        full((1, _DDEC)),
    ]
    out_specs = [
        per_b((1, T, NN)),
        per_b((1, T, NN)),
        per_b((1, T, N, _DH)),
        per_b((1, 8, T, N)),
        per_b((1, 2, T, N)),
        per_b((1, T, _DDEC)),
        per_b((1, 1, _DW)),
    ]
    out_shape = [
        jax.ShapeDtypeStruct((B, T, NN), _F32),
        jax.ShapeDtypeStruct((B, T, NN), _F32),
        jax.ShapeDtypeStruct((B, T, N, _DH), _F32),
        jax.ShapeDtypeStruct((B, 8, T, N), _F32),
        jax.ShapeDtypeStruct((B, 2, T, N), _F32),
        jax.ShapeDtypeStruct((B, T, _DDEC), _F32),
        jax.ShapeDtypeStruct((B, 1, _DW), _F32),
    ]

    outs = pl.pallas_call(
        _main_body,
        grid=(B,),
        in_specs=in_specs,
        out_specs=out_specs,
        out_shape=out_shape,
    )(sidx, widx, Em_r, E_ed, eedf, E_sd, esdf, V_T, S, vpt, vdt,
      V_num, V_dispatch_mask, worker_table, W_node, W_start, bs)

    eed, esd, nodeh, vval, vdy, dec, wt = outs

    b_eed = eed.reshape(B, T, N, N)
    b_esd = esd.reshape(B, T, N, N)
    b_V_val = vval.transpose(0, 2, 3, 1)
    b_V_dy = vdy.transpose(0, 2, 3, 1)
    wt_g = wt.reshape(B, _DW)
    embed_cou = jnp.concatenate(
        [jnp.repeat(wt_g, T, axis=0), jnp.repeat(cou[:, 1:4], T, axis=0)],
        axis=1)

    return (nodeh, b_edge_h, dec, b_V_val, b_eed, b_esd, b_V_dy, embed_cou)

# --- scband reference (transcript-rebuilt; emitter-appended) ---
"""Pipeline reference for scband-graph2-route-2542620640009 (READ-ONLY COPY).

The authoritative reference and input builder live on the scoring server;
editing this copy changes nothing except your own understanding.
"""

import jax, jax.numpy as jnp
import numpy as np

B = 32
T = 27
N = 27
D_V = 8
D_E = 5
D_S = 5
D_H = 32
D_DYN = 2
D_W = 20
NUM_WORKER = 2000


def setup_inputs(seed: int = 0) -> dict:
    key = jax.random.key(seed)
    ks = jax.random.split(key, 16)
    V = jax.random.normal(ks[0], (B, N, 3), dtype=jnp.float32)
    V_reach_mask = jnp.zeros((B, T, N), dtype=bool)
    V_ft = jax.random.normal(ks[1], (B, N), dtype=jnp.float32)
    V_pt = jax.random.normal(ks[2], (B, N), dtype=jnp.float32)
    V_dt = jax.random.normal(ks[3], (B, N), dtype=jnp.float32)
    V_num = jax.random.normal(ks[4], (B, T, N), dtype=jnp.float32)
    V_dispatch_mask = jnp.ones((B, T, N), dtype=jnp.float32)
    E = jax.random.normal(ks[5], (B, T, N, N, D_E), dtype=jnp.float32)
    E_ed = jax.random.normal(ks[6], (B, N, N), dtype=jnp.float32)
    E_sd = jax.random.normal(ks[7], (B, N, N), dtype=jnp.float32)
    E_mask = jnp.ones((B, T, N, N), dtype=jnp.float32)
    start_idx = jax.random.randint(ks[8], (B, T), 0, N)
    cou = jax.random.uniform(ks[9], (B, 4), dtype=jnp.float32)
    cou = cou.at[:, 0].set(jnp.floor(cou[:, 0] * NUM_WORKER))
    worker_table = jax.random.normal(ks[10], (NUM_WORKER, D_W), dtype=jnp.float32) * 0.02
    W_node = jax.random.normal(ks[11], (D_V, D_H), dtype=jnp.float32) * 0.05
    W_edge = jax.random.normal(ks[12], (D_E, D_H), dtype=jnp.float32) * 0.05
    W_start = jax.random.normal(ks[13], (D_S, D_H + D_V + D_DYN), dtype=jnp.float32) * 0.05
    b_start = jnp.zeros((D_H + D_V + D_DYN,), dtype=jnp.float32)
    return {"V": V, "V_reach_mask": V_reach_mask, "V_ft": V_ft, "V_pt": V_pt, "V_dt": V_dt, "V_num": V_num, "V_dispatch_mask": V_dispatch_mask, "E": E, "E_ed": E_ed, "E_sd": E_sd, "E_mask": E_mask, "start_idx": start_idx, "cou": cou, "worker_table": worker_table, "W_node": W_node, "W_edge": W_edge, "W_start": W_start, "b_start": b_start}


def _forward(V, V_ft, V_pt, V_dt, V_num, V_dispatch_mask, E, E_ed, E_sd, cou, worker_table, W_node, W_edge, W_start, b_start, V_reach_mask, E_mask, start_idx):
    Bb, Tt, Nn = V_reach_mask.shape
    idx0 = jnp.arange(Bb)
    cou_rep = jnp.repeat(cou[:, None, :], Tt, axis=1).reshape(Bb * Tt, -1)
    embed_cou = jnp.concatenate([jnp.take(worker_table, cou_rep[:, 0].astype(jnp.int32), axis=0), cou_rep[:, 1:2], cou_rep[:, 2:3], cou_rep[:, 3:4]], axis=1)
    node_h, edge_h, dec, vval, eed, esd, vdy = [], [], [], [], [], [], []
    for t in range(Tt):
        E_mask_t = E_mask[:, t]
        idx1 = start_idx[:, t]
        t_c = V_ft[idx0, idx1][:, None]
        dm = V_dispatch_mask[:, t]
        E_ed_dif = E_ed[idx0, idx1] * dm
        E_sd_dif = E_sd[idx0, idx1] * dm
        V_val = jnp.concatenate([V, (V_pt - t_c)[:, :, None], (t_c - V_dt)[:, :, None], E_ed_dif[:, :, None], E_sd_dif[:, :, None], V_num[:, t][:, :, None]], axis=2)
        V_dyn = jnp.concatenate([E_ed_dif[:, :, None], E_sd_dif[:, :, None]], axis=2)
        graph_node = V_val * dm[:, :, None]
        node_h.append(graph_node @ W_node)
        edge_h.append(E[:, t] @ W_edge)
        start_fea = jnp.concatenate([V[idx0, idx1], t_c, V_dt[idx0, idx1][:, None]], axis=1)
        dec.append(start_fea @ W_start + b_start)
        vval.append(V_val * dm[:, :, None])
        eed.append(E_ed * E_mask_t)
        esd.append(E_sd * E_mask_t)
        vdy.append(V_dyn)
    b_node_h = jnp.stack(node_h, axis=1)
    b_edge_h = jnp.stack(edge_h, axis=1)
    b_decoder_input = jnp.stack(dec, axis=1)
    b_V_val = jnp.stack(vval, axis=1)
    b_E_ed_t_masked = jnp.stack(eed, axis=1)
    b_E_sd_t_masked = jnp.stack(esd, axis=1)
    b_V_dy = jnp.stack(vdy, axis=1)
    return (b_node_h, b_edge_h, b_decoder_input, b_V_val, b_E_ed_t_masked, b_E_sd_t_masked, b_V_dy, embed_cou)


def reference(V, V_reach_mask, V_ft, V_pt, V_dt, V_num, V_dispatch_mask, E, E_ed, E_sd, E_mask, start_idx, cou, worker_table, W_node, W_edge, W_start, b_start):
    return _forward(V, V_ft, V_pt, V_dt, V_num, V_dispatch_mask, E, E_ed, E_sd, cou, worker_table, W_node, W_edge, W_start, b_start, V_reach_mask, E_mask, start_idx)

if __name__ == "__main__":
    import jax
    _d = setup_inputs()
    print(jax.jit(kernel)(*tuple(_d.values())))

</pallas_src>

<mosaic_0001>
module attributes {stable_mosaic.version = 14 : i64} {
  func.func @_edge_body(%arg0: i32, %arg1: i32, %arg2: memref<1x1x27x27x135xbf16, #tpu.memory_space<vmem>>, %arg3: memref<135x864xbf16, #tpu.memory_space<vmem>>, %arg4: memref<1x1x27x27x864xf32, #tpu.memory_space<vmem>>) attributes {dimension_semantics = [#tpu.dimension_semantics<arbitrary>, #tpu.dimension_semantics<arbitrary>], iteration_bounds = array<i64: 32, 1>, scalar_prefetch = 0 : i64, scratch_operands = 0 : i64, tpu.core_type = #tpu.core_type<tc>, window_params = [{transform_indices = @transform_0, window_bounds = array<i64: 1, 1, 27, 27, 135>}, {pipeline_mode = #tpu.pipeline_mode<synchronous>, transform_indices = @transform_1, window_bounds = array<i64: 135, 864>}, {transform_indices = @transform_2, window_bounds = array<i64: 1, 1, 27, 27, 864>}]} {
    %get3A = arith.constant 0 : index
    %get3A_0 = arith.constant 0 : index
    %get3A_1 = arith.constant 0 : index
    %get3A_2 = arith.constant 0 : index
    %get3A_3 = arith.constant 0 : index
    %get3A_4 = vector.load %arg2[%get3A, %get3A_0, %get3A_1, %get3A_2, %get3A_3] : memref<1x1x27x27x135xbf16, #tpu.memory_space<vmem>>, vector<1x1x1x27x135xbf16>
    %get3A_5 = vector.shape_cast %get3A_4 : vector<1x1x1x27x135xbf16> to vector<27x135xbf16>
    %get3A_6 = arith.constant 0 : index
    %get3A_7 = arith.constant 0 : index
    %get3A_8 = vector.load %arg3[%get3A_6, %get3A_7] : memref<135x864xbf16, #tpu.memory_space<vmem>>, vector<135x864xbf16>
    %dot_general3A = arith.constant dense<0.000000e+00> : vector<27x864xf32>
    %dot_general3A_9 = tpu.matmul %get3A_5, %get3A_8, %dot_general3A {dimension_numbers = #tpu.dot_dimension_numbers<[1], [0], [0], [1], [0, 0, 1, 1], [], []>, transpose_lhs_hint = false} : vector<27x135xbf16>, vector<135x864xbf16>, vector<27x864xf32> -> vector<27x864xf32>
    %swap3A = arith.constant 0 : index
    %swap3A_10 = arith.constant 0 : index
    %swap3A_11 = arith.constant 0 : index
    %swap3A_12 = arith.constant 0 : index
    %swap3A_13 = arith.constant 0 : index
    %swap3A_14 = vector.load %arg4[%swap3A, %swap3A_10, %swap3A_11, %swap3A_12, %swap3A_13] : memref<1x1x27x27x864xf32, #tpu.memory_space<vmem>>, vector<1x1x1x27x864xf32>
    %swap3A_15 = vector.shape_cast %swap3A_14 : vector<1x1x1x27x864xf32> to vector<27x864xf32>
    %swap3A_16 = vector.shape_cast %dot_general3A_9 : vector<27x864xf32> to vector<1x1x1x27x864xf32>
    tpu.vector_store %arg4[%swap3A, %swap3A_10, %swap3A_11, %swap3A_12, %swap3A_13], %swap3A_16 {strides = array<i32>} : memref<1x1x27x27x864xf32, #tpu.memory_space<vmem>>, vector<1x1x1x27x864xf32>,
    %get3A_17 = arith.constant 0 : index
    %get3A_18 = arith.constant 0 : index
    %get3A_19 = arith.constant 1 : index
    %get3A_20 = arith.constant 0 : index
    %get3A_21 = arith.constant 0 : index
    %get3A_22 = vector.load %arg2[%get3A_17, %get3A_18, %get3A_19, %get3A_20, %get3A_21] : memref<1x1x27x27x135xbf16, #tpu.memory_space<vmem>>, vector<1x1x1x27x135xbf16>
    %get3A_23 = vector.shape_cast %get3A_22 : vector<1x1x1x27x135xbf16> to vector<27x135xbf16>
    %get3A_24 = arith.constant 0 : index
    %get3A_25 = arith.constant 0 : index
    %get3A_26 = vector.load %arg3[%get3A_24, %get3A_25] : memref<135x864xbf16, #tpu.memory_space<vmem>>, vector<135x864xbf16>
    %dot_general3A_27 = arith.constant dense<0.000000e+00> : vector<27x864xf32>
    %dot_general3A_28 = tpu.matmul %get3A_23, %get3A_26, %dot_general3A_27 {dimension_numbers = #tpu.dot_dimension_numbers<[1], [0], [0], [1], [0, 0, 1, 1], [], []>, transpose_lhs_hint = false} : vector<27x135xbf16>, vector<135x864xbf16>, vector<27x864xf32> -> vector<27x864xf32>
    %swap3A_29 = arith.constant 0 : index
    %swap3A_30 = arith.constant 0 : index
    %swap3A_31 = arith.constant 1 : index
    %swap3A_32 = arith.constant 0 : index
    %swap3A_33 = arith.constant 0 : index
    %swap3A_34 = vector.load %arg4[%swap3A_29, %swap3A_30, %swap3A_31, %swap3A_32, %swap3A_33] : memref<1x1x27x27x864xf32, #tpu.memory_space<vmem>>, vector<1x1x1x27x864xf32>
    %swap3A_35 = vector.shape_cast %swap3A_34 : vector<1x1x1x27x864xf32> to vector<27x864xf32>
    %swap3A_36 = vector.shape_cast %dot_general3A_28 : vector<27x864xf32> to vector<1x1x1x27x864xf32>
    tpu.vector_store %arg4[%swap3A_29, %swap3A_30, %swap3A_31, %swap3A_32, %swap3A_33], %swap3A_36 {strides = array<i32>} : memref<1x1x27x27x864xf32, #tpu.memory_space<vmem>>, vector<1x1x1x27x864xf32>,
    %get3A_37 = arith.constant 0 : index
    %get3A_38 = arith.constant 0 : index
    %get3A_39 = arith.constant 2 : index
    %get3A_40 = arith.constant 0 : index
    %get3A_41 = arith.constant 0 : index
    %get3A_42 = vector.load %arg2[%get3A_37, %get3A_38, %get3A_39, %get3A_40, %get3A_41] : memref<1x1x27x27x135xbf16, #tpu.memory_space<vmem>>, vector<1x1x1x27x135xbf16>
    %get3A_43 = vector.shape_cast %get3A_42 : vector<1x1x1x27x135xbf16> to vector<27x135xbf16>
    %get3A_44 = arith.constant 0 : index
    %get3A_45 = arith.constant 0 : index
    %get3A_46 = vector.load %arg3[%get3A_44, %get3A_45] : memref<135x864xbf16, #tpu.memory_space<vmem>>, vector<135x864xbf16>
    %dot_general3A_47 = arith.constant dense<0.000000e+00> : vector<27x864xf32>
    %dot_general3A_48 = tpu.matmul %get3A_43, %get3A_46, %dot_general3A_47 {dimension_numbers = #tpu.dot_dimension_numbers<[1], [0], [0], [1], [0, 0, 1, 1], [], []>, transpose_lhs_hint = false} : vector<27x135xbf16>, vector<135x864xbf16>, vector<27x864xf32> -> vector<27x864xf32>
    %swap3A_49 = arith.constant 0 : index
    %swap3A_50 = arith.constant 0 : index
    %swap3A_51 = arith.constant 2 : index
    %swap3A_52 = arith.constant 0 : index
    %swap3A_53 = arith.constant 0 : index
    %swap3A_54 = vector.load %arg4[%swap3A_49, %swap3A_50, %swap3A_51, %swap3A_52, %swap3A_53] : memref<1x1x27x27x864xf32, #tpu.memory_space<vmem>>, vector<1x1x1x27x864xf32>
    %swap3A_55 = vector.shape_cast %swap3A_54 : vector<1x1x1x27x864xf32> to vector<27x864xf32>
    %swap3A_56 = vector.shape_cast %dot_general3A_48 : vector<27x864xf32> to vector<1x1x1x27x864xf32>
    tpu.vector_store %arg4[%swap3A_49, %swap3A_50, %swap3A_51, %swap3A_52, %swap3A_53], %swap3A_56 {strides = array<i32>} : memref<1x1x27x27x864xf32, #tpu.memory_space<vmem>>, vector<1x1x1x27x864xf32>,
    %get3A_57 = arith.constant 0 : index
    %get3A_58 = arith.constant 0 : index
    %get3A_59 = arith.constant 3 : index
    %get3A_60 = arith.constant 0 : index
    %get3A_61 = arith.constant 0 : index
    %get3A_62 = vector.load %arg2[%get3A_57, %get3A_58, %get3A_59, %get3A_60, %get3A_61] : memref<1x1x27x27x135xbf16, #tpu.memory_space<vmem>>, vector<1x1x1x27x135xbf16>
    %get3A_63 = vector.shape_cast %get3A_62 : vector<1x1x1x27x135xbf16> to vector<27x135xbf16>
    %get3A_64 = arith.constant 0 : index
    %get3A_65 = arith.constant 0 : index
    %get3A_66 = vector.load %arg3[%get3A_64, %get3A_65] : memref<135x864xbf16, #tpu.memory_space<vmem>>, vector<135x864xbf16>
    %dot_general3A_67 = arith.constant dense<0.000000e+00> : vector<27x864xf32>
    %dot_general3A_68 = tpu.matmul %get3A_63, %get3A_66, %dot_general3A_67 {dimension_numbers = #tpu.dot_dimension_numbers<[1], [0], [0], [1], [0, 0, 1, 1], [], []>, transpose_lhs_hint = false} : vector<27x135xbf16>, vector<135x864xbf16>, vector<27x864xf32> -> vector<27x864xf32>
    %swap3A_69 = arith.constant 0 : index
    %swap3A_70 = arith.constant 0 : index
    %swap3A_71 = arith.constant 3 : index
    %swap3A_72 = arith.constant 0 : index
    %swap3A_73 = arith.constant 0 : index
    %swap3A_74 = vector.load %arg4[%swap3A_69, %swap3A_70, %swap3A_71, %swap3A_72, %swap3A_73] : memref<1x1x27x27x864xf32, #tpu.memory_space<vmem>>, vector<1x1x1x27x864xf32>
    %swap3A_75 = vector.shape_cast %swap3A_74 : vector<1x1x1x27x864xf32> to vector<27x864xf32>
    %swap3A_76 = vector.shape_cast %dot_general3A_68 : vector<27x864xf32> to vector<1x1x1x27x864xf32>
    tpu.vector_store %arg4[%swap3A_69, %swap3A_70, %swap3A_71, %swap3A_72, %swap3A_73], %swap3A_76 {strides = array<i32>} : memref<1x1x27x27x864xf32, #tpu.memory_space<vmem>>, vector<1x1x1x27x864xf32>,
    %get3A_77 = arith.constant 0 : index
    %get3A_78 = arith.constant 0 : index
    %get3A_79 = arith.constant 4 : index
    %get3A_80 = arith.constant 0 : index
    %get3A_81 = arith.constant 0 : index
    %get3A_82 = vector.load %arg2[%get3A_77, %get3A_78, %get3A_79, %get3A_80, %get3A_81] : memref<1x1x27x27x135xbf16, #tpu.memory_space<vmem>>, vector<1x1x1x27x135xbf16>
    %get3A_83 = vector.shape_cast %get3A_82 : vector<1x1x1x27x135xbf16> to vector<27x135xbf16>
    %get3A_84 = arith.constant 0 : index
    %get3A_85 = arith.constant 0 : index
    %get3A_86 = vector.load %arg3[%get3A_84, %get3A_85] : memref<135x864xbf16, #tpu.memory_space<vmem>>, vector<135x864xbf16>
    %dot_general3A_87 = arith.constant dense<0.000000e+00> : vector<27x864xf32>
    %dot_general3A_88 = tpu.matmul %get3A_83, %get3A_86, %dot_general3A_87 {dimension_numbers = #tpu.dot_dimension_numbers<[1], [0], [0], [1], [0, 0, 1, 1], [], []>, transpose_lhs_hint = false} : vector<27x135xbf16>, vector<135x864xbf16>, vector<27x864xf32> -> vector<27x864xf32>
    %swap3A_89 = arith.constant 0 : index
    %swap3A_90 = arith.constant 0 : index
    %swap3A_91 = arith.constant 4 : index
    %swap3A_92 = arith.constant 0 : index
    %swap3A_93 = arith.constant 0 : index
    %swap3A_94 = vector.load %arg4[%swap3A_89, %swap3A_90, %swap3A_91, %swap3A_92, %swap3A_93] : memref<1x1x27x27x864xf32, #tpu.memory_space<vmem>>, vector<1x1x1x27x864xf32>
    %swap3A_95 = vector.shape_cast %swap3A_94 : vector<1x1x1x27x864xf32> to vector<27x864xf32>
    %swap3A_96 = vector.shape_cast %dot_general3A_88 : vector<27x864xf32> to vector<1x1x1x27x864xf32>
    tpu.vector_store %arg4[%swap3A_89, %swap3A_90, %swap3A_91, %swap3A_92, %swap3A_93], %swap3A_96 {strides = array<i32>} : memref<1x1x27x27x864xf32, #tpu.memory_space<vmem>>, vector<1x1x1x27x864xf32>,
    %get3A_97 = arith.constant 0 : index
    %get3A_98 = arith.constant 0 : index
    %get3A_99 = arith.constant 5 : index
    %get3A_100 = arith.constant 0 : index
    %get3A_101 = arith.constant 0 : index
    %get3A_102 = vector.load %arg2[%get3A_97, %get3A_98, %get3A_99, %get3A_100, %get3A_101] : memref<1x1x27x27x135xbf16, #tpu.memory_space<vmem>>, vector<1x1x1x27x135xbf16>
    %get3A_103 = vector.shape_cast %get3A_102 : vector<1x1x1x27x135xbf16> to vector<27x135xbf16>
    %get3A_104 = arith.constant 0 : index
    %get3A_105 = arith.constant 0 : index
    %get3A_106 = vector.load %arg3[%get3A_104, %get3A_105] : memref<135x864xbf16, #tpu.memory_space<vmem>>, vector<135x864xbf16>
    %dot_general3A_107 = arith.constant dense<0.000000e+00> : vector<27x864xf32>
    %dot_general3A_108 = tpu.matmul %get3A_103, %get3A_106, %dot_general3A_107 {dimension_numbers = #tpu.dot_dimension_numbers<[1], [0], [0], [1], [0, 0, 1, 1], [], []>, transpose_lhs_hint = false} : vector<27x135xbf16>, vector<135x864xbf16>, vector<27x864xf32> -> vector<27x864xf32>
    %swap3A_109 = arith.constant 0 : index
    %swap3A_110 = arith.constant 0 : index
    %swap3A_111 = arith.constant 5 : index
    %swap3A_112 = arith.constant 0 : index
    %swap3A_113 = arith.constant 0 : index
    %swap3A_114 = vector.load %arg4[%swap3A_109, %swap3A_110, %swap3A_111, %swap3A_112, %swap3A_113] : memref<1x1x27x27x864xf32, #tpu.memory_space<vmem>>, vector<1x1x1x27x864xf32>
    %swap3A_115 = vector.shape_cast %swap3A_114 : vector<1x1x1x27x864xf32> to vector<27x864xf32>
    %swap3A_116 = vector.shape_cast %dot_general3A_108 : vector<27x864xf32> to vector<1x1x1x27x864xf32>
    tpu.vector_store %arg4[%swap3A_109, %swap3A_110, %swap3A_111, %swap3A_112, %swap3A_113], %swap3A_116 {strides = array<i32>} : memref<1x1x27x27x864xf32, #tpu.memory_space<vmem>>, vector<1x1x1x27x864xf32>,
    %get3A_117 = arith.constant 0 : index
    %get3A_118 = arith.constant 0 : index
    %get3A_119 = arith.constant 6 : index
    %get3A_120 = arith.constant 0 : index
    %get3A_121 = arith.constant 0 : index
    %get3A_122 = vector.load %arg2[%get3A_117, %get3A_118, %get3A_119, %get3A_120, %get3A_121] : memref<1x1x27x27x135xbf16, #tpu.memory_space<vmem>>, vector<1x1x1x27x135xbf16>
    %get3A_123 = vector.shape_cast %get3A_122 : vector<1x1x1x27x135xbf16> to vector<27x135xbf16>
    %get3A_124 = arith.constant 0 : index
    %get3A_125 = arith.constant 0 : index
    %get3A_126 = vector.load %arg3[%get3A_124, %get3A_125] : memref<135x864xbf16, #tpu.memory_space<vmem>>, vector<135x864xbf16>
    %dot_general3A_127 = arith.constant dense<0.000000e+00> : vector<27x864xf32>
    %dot_general3A_128 = tpu.matmul %get3A_123, %get3A_126, %dot_general3A_127 {dimension_numbers = #tpu.dot_dimension_numbers<[1], [0], [0], [1], [0, 0, 1, 1], [], []>, transpose_lhs_hint = false} : vector<27x135xbf16>, vector<135x864xbf16>, vector<27x864xf32> -> vector<27x864xf32>
    %swap3A_129 = arith.constant 0 : index
    %swap3A_130 = arith.constant 0 : index
    %swap3A_131 = arith.constant 6 : index
    %swap3A_132 = arith.constant 0 : index
    %swap3A_133 = arith.constant 0 : index
    %swap3A_134 = vector.load %arg4[%swap3A_129, %swap3A_130, %swap3A_131, %swap3A_132, %swap3A_133] : memref<1x1x27x27x864xf32, #tpu.memory_space<vmem>>, vector<1x1x1x27x864xf32>
    %swap3A_135 = vector.shape_cast %swap3A_134 : vector<1x1x1x27x864xf32> to vector<27x864xf32>
    %swap3A_136 = vector.shape_cast %dot_general3A_128 : vector<27x864xf32> to vector<1x1x1x27x864xf32>
    tpu.vector_store %arg4[%swap3A_129, %swap3A_130, %swap3A_131, %swap3A_132, %swap3A_133], %swap3A_136 {strides = array<i32>} : memref<1x1x27x27x864xf32, #tpu.memory_space<vmem>>, vector<1x1x1x27x864xf32>,
    %get3A_137 = arith.constant 0 : index
    %get3A_138 = arith.constant 0 : index
    %get3A_139 = arith.constant 7 : index
    %get3A_140 = arith.constant 0 : index
    %get3A_141 = arith.constant 0 : index
    %get3A_142 = vector.load %arg2[%get3A_137, %get3A_138, %get3A_139, %get3A_140, %get3A_141] : memref<1x1x27x27x135xbf16, #tpu.memory_space<vmem>>, vector<1x1x1x27x135xbf16>
    %get3A_143 = vector.shape_cast %get3A_142 : vector<1x1x1x27x135xbf16> to vector<27x135xbf16>
    %get3A_144 = arith.constant 0 : index
    %get3A_145 = arith.constant 0 : index
    %get3A_146 = vector.load %arg3[%get3A_144, %get3A_145] : memref<135x864xbf16, #tpu.memory_space<vmem>>, vector<135x864xbf16>
    %dot_general3A_147 = arith.constant dense<0.000000e+00> : vector<27x864xf32>
    %dot_general3A_148 = tpu.matmul %get3A_143, %get3A_146, %dot_general3A_147 {dimension_numbers = #tpu.dot_dimension_numbers<[1], [0], [0], [1], [0, 0, 1, 1], [], []>, transpose_lhs_hint = false} : vector<27x135xbf16>, vector<135x864xbf16>, vector<27x864xf32> -> vector<27x864xf32>
    %swap3A_149 = arith.constant 0 : index
    %swap3A_150 = arith.constant 0 : index
    %swap3A_151 = arith.constant 7 : index
    %swap3A_152 = arith.constant 0 : index
    %swap3A_153 = arith.constant 0 : index
    %swap3A_154 = vector.load %arg4[%swap3A_149, %swap3A_150, %swap3A_151, %swap3A_152, %swap3A_153] : memref<1x1x27x27x864xf32, #tpu.memory_space<vmem>>, vector<1x1x1x27x864xf32>
    %swap3A_155 = vector.shape_cast %swap3A_154 : vector<1x1x1x27x864xf32> to vector<27x864xf32>
    %swap3A_156 = vector.shape_cast %dot_general3A_148 : vector<27x864xf32> to vector<1x1x1x27x864xf32>
    tpu.vector_store %arg4[%swap3A_149, %swap3A_150, %swap3A_151, %swap3A_152, %swap3A_153], %swap3A_156 {strides = array<i32>} : memref<1x1x27x27x864xf32, #tpu.memory_space<vmem>>, vector<1x1x1x27x864xf32>,
    %get3A_157 = arith.constant 0 : index
    %get3A_158 = arith.constant 0 : index
    %get3A_159 = arith.constant 8 : index
    %get3A_160 = arith.constant 0 : index
    %get3A_161 = arith.constant 0 : index
    %get3A_162 = vector.load %arg2[%get3A_157, %get3A_158, %get3A_159, %get3A_160, %get3A_161] : memref<1x1x27x27x135xbf16, #tpu.memory_space<vmem>>, vector<1x1x1x27x135xbf16>
    %get3A_163 = vector.shape_cast %get3A_162 : vector<1x1x1x27x135xbf16> to vector<27x135xbf16>
    %get3A_164 = arith.constant 0 : index
    %get3A_165 = arith.constant 0 : index
    %get3A_166 = vector.load %arg3[%get3A_164, %get3A_165] : memref<135x864xbf16, #tpu.memory_space<vmem>>, vector<135x864xbf16>
    %dot_general3A_167 = arith.constant dense<0.000000e+00> : vector<27x864xf32>
    %dot_general3A_168 = tpu.matmul %get3A_163, %get3A_166, %dot_general3A_167 {dimension_numbers = #tpu.dot_dimension_numbers<[1], [0], [0], [1], [0, 0, 1, 1], [], []>, transpose_lhs_hint = false} : vector<27x135xbf16>, vector<135x864xbf16>, vector<27x864xf32> -> vector<27x864xf32>
    %swap3A_169 = arith.constant 0 : index
    %swap3A_170 = arith.constant 0 : index
    %swap3A_171 = arith.constant 8 : index
    %swap3A_172 = arith.constant 0 : index
    %swap3A_173 = arith.constant 0 : index
    %swap3A_174 = vector.load %arg4[%swap3A_169, %swap3A_170, %swap3A_171, %swap3A_172, %swap3A_173] : memref<1x1x27x27x864xf32, #tpu.memory_space<vmem>>, vector<1x1x1x27x864xf32>
    %swap3A_175 = vector.shape_cast %swap3A_174 : vector<1x1x1x27x864xf32> to vector<27x864xf32>
    %swap3A_176 = vector.shape_cast %dot_general3A_168 : vector<27x864xf32> to vector<1x1x1x27x864xf32>
    tpu.vector_store %arg4[%swap3A_169, %swap3A_170, %swap3A_171, %swap3A_172, %swap3A_173], %swap3A_176 {strides = array<i32>} : memref<1x1x27x27x864xf32, #tpu.memory_space<vmem>>, vector<1x1x1x27x864xf32>,
    %get3A_177 = arith.constant 0 : index
    %get3A_178 = arith.constant 0 : index
    %get3A_179 = arith.constant 9 : index
    %get3A_180 = arith.constant 0 : index
    %get3A_181 = arith.constant 0 : index
    %get3A_182 = vector.load %arg2[%get3A_177, %get3A_178, %get3A_179, %get3A_180, %get3A_181] : memref<1x1x27x27x135xbf16, #tpu.memory_space<vmem>>, vector<1x1x1x27x135xbf16>
    %get3A_183 = vector.shape_cast %get3A_182 : vector<1x1x1x27x135xbf16> to vector<27x135xbf16>
    %get3A_184 = arith.constant 0 : index
    %get3A_185 = arith.constant 0 : index
    %get3A_186 = vector.load %arg3[%get3A_184, %get3A_185] : memref<135x864xbf16, #tpu.memory_space<vmem>>, vector<135x864xbf16>
    %dot_general3A_187 = arith.constant dense<0.000000e+00> : vector<27x864xf32>
    %dot_general3A_188 = tpu.matmul %get3A_183, %get3A_186, %dot_general3A_187 {dimension_numbers = #tpu.dot_dimension_numbers<[1], [0], [0], [1], [0, 0, 1, 1], [], []>, transpose_lhs_hint = false} : vector<27x135xbf16>, vector<135x864xbf16>, vector<27x864xf32> -> vector<27x864xf32>
    %swap3A_189 = arith.constant 0 : index
    %swap3A_190 = arith.constant 0 : index
    %swap3A_191 = arith.constant 9 : index
    %swap3A_192 = arith.constant 0 : index
    %swap3A_193 = arith.constant 0 : index
    %swap3A_194 = vector.load %arg4[%swap3A_189, %swap3A_190, %swap3A_191, %swap3A_192, %swap3A_193] : memref<1x1x27x27x864xf32, #tpu.memory_space<vmem>>, vector<1x1x1x27x864xf32>
    %swap3A_195 = vector.shape_cast %swap3A_194 : vector<1x1x1x27x864xf32> to vector<27x864xf32>
    %swap3A_196 = vector.shape_cast %dot_general3A_188 : vector<27x864xf32> to vector<1x1x1x27x864xf32>
    tpu.vector_store %arg4[%swap3A_189, %swap3A_190, %swap3A_191, %swap3A_192, %swap3A_193], %swap3A_196 {strides = array<i32>} : memref<1x1x27x27x864xf32, #tpu.memory_space<vmem>>, vector<1x1x1x27x864xf32>,
    %get3A_197 = arith.constant 0 : index
    %get3A_198 = arith.constant 0 : index
    %get3A_199 = arith.constant 10 : index
    %get3A_200 = arith.constant 0 : index
    %get3A_201 = arith.constant 0 : index
    %get3A_202 = vector.load %arg2[%get3A_197, %get3A_198, %get3A_199, %get3A_200, %get3A_201] : memref<1x1x27x27x135xbf16, #tpu.memory_space<vmem>>, vector<1x1x1x27x135xbf16>
    %get3A_203 = vector.shape_cast %get3A_202 : vector<1x1x1x27x135xbf16> to vector<27x135xbf16>
    %get3A_204 = arith.constant 0 : index
    %get3A_205 = arith.constant 0 : index
    %get3A_206 = vector.load %arg3[%get3A_204, %get3A_205] : memref<135x864xbf16, #tpu.memory_space<vmem>>, vector<135x864xbf16>
    %dot_general3A_207 = arith.constant dense<0.000000e+00> : vector<27x864xf32>
    %dot_general3A_208 = tpu.matmul %get3A_203, %get3A_206, %dot_general3A_207 {dimension_numbers = #tpu.dot_dimension_numbers<[1], [0], [0], [1], [0, 0, 1, 1], [], []>, transpose_lhs_hint = false} : vector<27x135xbf16>, vector<135x864xbf16>, vector<27x864xf32> -> vector<27x864xf32>
    %swap3A_209 = arith.constant 0 : index
    %swap3A_210 = arith.constant 0 : index
    %swap3A_211 = arith.constant 10 : index
    %swap3A_212 = arith.constant 0 : index
    %swap3A_213 = arith.constant 0 : index
    %swap3A_214 = vector.load %arg4[%swap3A_209, %swap3A_210, %swap3A_211, %swap3A_212, %swap3A_213] : memref<1x1x27x27x864xf32, #tpu.memory_space<vmem>>, vector<1x1x1x27x864xf32>
    %swap3A_215 = vector.shape_cast %swap3A_214 : vector<1x1x1x27x864xf32> to vector<27x864xf32>
    %swap3A_216 = vector.shape_cast %dot_general3A_208 : vector<27x864xf32> to vector<1x1x1x27x864xf32>
    tpu.vector_store %arg4[%swap3A_209, %swap3A_210, %swap3A_211, %swap3A_212, %swap3A_213], %swap3A_216 {strides = array<i32>} : memref<1x1x27x27x864xf32, #tpu.memory_space<vmem>>, vector<1x1x1x27x864xf32>,
    %get3A_217 = arith.constant 0 : index
    %get3A_218 = arith.constant 0 : index
    %get3A_219 = arith.constant 11 : index
    %get3A_220 = arith.constant 0 : index
    %get3A_221 = arith.constant 0 : index
    %get3A_222 = vector.load %arg2[%get3A_217, %get3A_218, %get3A_219, %get3A_220, %get3A_221] : memref<1x1x27x27x135xbf16, #tpu.memory_space<vmem>>, vector<1x1x1x27x135xbf16>
    %get3A_223 = vector.shape_cast %get3A_222 : vector<1x1x1x27x135xbf16> to vector<27x135xbf16>
    %get3A_224 = arith.constant 0 : index
    %get3A_225 = arith.constant 0 : index
    %get3A_226 = vector.load %arg3[%get3A_224, %get3A_225] : memref<135x864xbf16, #tpu.memory_space<vmem>>, vector<135x864xbf16>
    %dot_general3A_227 = arith.constant dense<0.000000e+00> : vector<27x864xf32>
    %dot_general3A_228 = tpu.matmul %get3A_223, %get3A_226, %dot_general3A_227 {dimension_numbers = #tpu.dot_dimension_numbers<[1], [0], [0], [1], [0, 0, 1, 1], [], []>, transpose_lhs_hint = false} : vector<27x135xbf16>, vector<135x864xbf16>, vector<27x864xf32> -> vector<27x864xf32>
    %swap3A_229 = arith.constant 0 : index
    %swap3A_230 = arith.constant 0 : index
    %swap3A_231 = arith.constant 11 : index
    %swap3A_232 = arith.constant 0 : index
    %swap3A_233 = arith.constant 0 : index
    %swap3A_234 = vector.load %arg4[%swap3A_229, %swap3A_230, %swap3A_231, %swap3A_232, %swap3A_233] : memref<1x1x27x27x864xf32, #tpu.memory_space<vmem>>, vector<1x1x1x27x864xf32>
    %swap3A_235 = vector.shape_cast %swap3A_234 : vector<1x1x1x27x864xf32> to vector<27x864xf32>
    %swap3A_236 = vector.shape_cast %dot_general3A_228 : vector<27x864xf32> to vector<1x1x1x27x864xf32>
    tpu.vector_store %arg4[%swap3A_229, %swap3A_230, %swap3A_231, %swap3A_232, %swap3A_233], %swap3A_236 {strides = array<i32>} : memref<1x1x27x27x864xf32, #tpu.memory_space<vmem>>, vector<1x1x1x27x864xf32>,
    %get3A_237 = arith.constant 0 : index
    %get3A_238 = arith.constant 0 : index
    %get3A_239 = arith.constant 12 : index
    %get3A_240 = arith.constant 0 : index
    %get3A_241 = arith.constant 0 : index
    %get3A_242 = vector.load %arg2[%get3A_237, %get3A_238, %get3A_239, %get3A_240, %get3A_241] : memref<1x1x27x27x135xbf16, #tpu.memory_space<vmem>>, vector<1x1x1x27x135xbf16>
    %get3A_243 = vector.shape_cast %get3A_242 : vector<1x1x1x27x135xbf16> to vector<27x135xbf16>
    %get3A_244 = arith.constant 0 : index
    %get3A_245 = arith.constant 0 : index
    %get3A_246 = vector.load %arg3[%get3A_244, %get3A_245] : memref<135x864xbf16, #tpu.memory_space<vmem>>, vector<135x864xbf16>
    %dot_general3A_247 = arith.constant dense<0.000000e+00> : vector<27x864xf32>
    %dot_general3A_248 = tpu.matmul %get3A_243, %get3A_246, %dot_general3A_247 {dimension_numbers = #tpu.dot_dimension_numbers<[1], [0], [0], [1], [0, 0, 1, 1], [], []>, transpose_lhs_hint = false} : vector<27x135xbf16>, vector<135x864xbf16>, vector<27x864xf32> -> vector<27x864xf32>
    %swap3A_249 = arith.constant 0 : index
    %swap3A_250 = arith.constant 0 : index
    %swap3A_251 = arith.constant 12 : index
    %swap3A_252 = arith.constant 0 : index
    %swap3A_253 = arith.constant 0 : index
    %swap3A_254 = vector.load %arg4[%swap3A_249, %swap3A_250, %swap3A_251, %swap3A_252, %swap3A_253] : memref<1x1x27x27x864xf32, #tpu.memory_space<vmem>>, vector<1x1x1x27x864xf32>
    %swap3A_255 = vector.shape_cast %swap3A_254 : vector<1x1x1x27x864xf32> to vector<27x864xf32>
    %swap3A_256 = vector.shape_cast %dot_general3A_248 : vector<27x864xf32> to vector<1x1x1x27x864xf32>
    tpu.vector_store %arg4[%swap3A_249, %swap3A_250, %swap3A_251, %swap3A_252, %swap3A_253], %swap3A_256 {strides = array<i32>} : memref<1x1x27x27x864xf32, #tpu.memory_space<vmem>>, vector<1x1x1x27x864xf32>,
    %get3A_257 = arith.constant 0 : index
    %get3A_258 = arith.constant 0 : index
    %get3A_259 = arith.constant 13 : index
    %get3A_260 = arith.constant 0 : index
    %get3A_261 = arith.constant 0 : index
    %get3A_262 = vector.load %arg2[%get3A_257, %get3A_258, %get3A_259, %get3A_260, %get3A_261] : memref<1x1x27x27x135xbf16, #tpu.memory_space<vmem>>, vector<1x1x1x27x135xbf16>
    %get3A_263 = vector.shape_cast %get3A_262 : vector<1x1x1x27x135xbf16> to vector<27x135xbf16>
    %get3A_264 = arith.constant 0 : index
    %get3A_265 = arith.constant 0 : index
    %get3A_266 = vector.load %arg3[%get3A_264, %get3A_265] : memref<135x864xbf16, #tpu.memory_space<vmem>>, vector<135x864xbf16>
    %dot_general3A_267 = arith.constant dense<0.000000e+00> : vector<27x864xf32>
    %dot_general3A_268 = tpu.matmul %get3A_263, %get3A_266, %dot_general3A_267 {dimension_numbers = #tpu.dot_dimension_numbers<[1], [0], [0], [1], [0, 0, 1, 1], [], []>, transpose_lhs_hint = false} : vector<27x135xbf16>, vector<135x864xbf16>, vector<27x864xf32> -> vector<27x864xf32>
    %swap3A_269 = arith.constant 0 : index
    %swap3A_270 = arith.constant 0 : index
    %swap3A_271 = arith.constant 13 : index
    %swap3A_272 = arith.constant 0 : index
    %swap3A_273 = arith.constant 0 : index
    %swap3A_274 = vector.load %arg4[%swap3A_269, %swap3A_270, %swap3A_271, %swap3A_272, %swap3A_273] : memref<1x1x27x27x864xf32, #tpu.memory_space<vmem>>, vector<1x1x1x27x864xf32>
    %swap3A_275 = vector.shape_cast %swap3A_274 : vector<1x1x1x27x864xf32> to vector<27x864xf32>
    %swap3A_276 = vector.shape_cast %dot_general3A_268 : vector<27x864xf32> to vector<1x1x1x27x864xf32>
    tpu.vector_store %arg4[%swap3A_269, %swap3A_270, %swap3A_271, %swap3A_272, %swap3A_273], %swap3A_276 {strides = array<i32>} : memref<1x1x27x27x864xf32, #tpu.memory_space<vmem>>, vector<1x1x1x27x864xf32>,
    %get3A_277 = arith.constant 0 : index
    %get3A_278 = arith.constant 0 : index
    %get3A_279 = arith.constant 14 : index
    %get3A_280 = arith.constant 0 : index
    %get3A_281 = arith.constant 0 : index
    %get3A_282 = vector.load %arg2[%get3A_277, %get3A_278, %get3A_279, %get3A_280, %get3A_281] : memref<1x1x27x27x135xbf16, #tpu.memory_space<vmem>>, vector<1x1x1x27x135xbf16>
    %get3A_283 = vector.shape_cast %get3A_282 : vector<1x1x1x27x135xbf16> to vector<27x135xbf16>
    %get3A_284 = arith.constant 0 : index
    %get3A_285 = arith.constant 0 : index
    %get3A_286 = vector.load %arg3[%get3A_284, %get3A_285] : memref<135x864xbf16, #tpu.memory_space<vmem>>, vector<135x864xbf16>
    %dot_general3A_287 = arith.constant dense<0.000000e+00> : vector<27x864xf32>
    %dot_general3A_288 = tpu.matmul %get3A_283, %get3A_286, %dot_general3A_287 {dimension_numbers = #tpu.dot_dimension_numbers<[1], [0], [0], [1], [0, 0, 1, 1], [], []>, transpose_lhs_hint = false} : vector<27x135xbf16>, vector<135x864xbf16>, vector<27x864xf32> -> vector<27x864xf32>
    %swap3A_289 = arith.constant 0 : index
    %swap3A_290 = arith.constant 0 : index
    %swap3A_291 = arith.constant 14 : index
    %swap3A_292 = arith.constant 0 : index
    %swap3A_293 = arith.constant 0 : index
    %swap3A_294 = vector.load %arg4[%swap3A_289, %swap3A_290, %swap3A_291, %swap3A_292, %swap3A_293] : memref<1x1x27x27x864xf32, #tpu.memory_space<vmem>>, vector<1x1x1x27x864xf32>
    %swap3A_295 = vector.shape_cast %swap3A_294 : vector<1x1x1x27x864xf32> to vector<27x864xf32>
    %swap3A_296 = vector.shape_cast %dot_general3A_288 : vector<27x864xf32> to vector<1x1x1x27x864xf32>
    tpu.vector_store %arg4[%swap3A_289, %swap3A_290, %swap3A_291, %swap3A_292, %swap3A_293], %swap3A_296 {strides = array<i32>} : memref<1x1x27x27x864xf32, #tpu.memory_space<vmem>>, vector<1x1x1x27x864xf32>,
    %get3A_297 = arith.constant 0 : index
    %get3A_298 = arith.constant 0 : index
    %get3A_299 = arith.constant 15 : index
    %get3A_300 = arith.constant 0 : index
    %get3A_301 = arith.constant 0 : index
    %get3A_302 = vector.load %arg2[%get3A_297, %get3A_298, %get3A_299, %get3A_300, %get3A_301] : memref<1x1x27x27x135xbf16, #tpu.memory_space<vmem>>, vector<1x1x1x27x135xbf16>
    %get3A_303 = vector.shape_cast %get3A_302 : vector<1x1x1x27x135xbf16> to vector<27x135xbf16>
    %get3A_304 = arith.constant 0 : index
    %get3A_305 = arith.constant 0 : index
    %get3A_306 = vector.load %arg3[%get3A_304, %get3A_305] : memref<135x864xbf16, #tpu.memory_space<vmem>>, vector<135x864xbf16>
    %dot_general3A_307 = arith.constant dense<0.000000e+00> : vector<27x864xf32>
    %dot_general3A_308 = tpu.matmul %get3A_303, %get3A_306, %dot_general3A_307 {dimension_numbers = #tpu.dot_dimension_numbers<[1], [0], [0], [1], [0, 0, 1, 1], [], []>, transpose_lhs_hint = false} : vector<27x135xbf16>, vector<135x864xbf16>, vector<27x864xf32> -> vector<27x864xf32>
    %swap3A_309 = arith.constant 0 : index
    %swap3A_310 = arith.constant 0 : index
    %swap3A_311 = arith.constant 15 : index
    %swap3A_312 = arith.constant 0 : index
    %swap3A_313 = arith.constant 0 : index
    %swap3A_314 = vector.load %arg4[%swap3A_309, %swap3A_310, %swap3A_311, %swap3A_312, %swap3A_313] : memref<1x1x27x27x864xf32, #tpu.memory_space<vmem>>, vector<1x1x1x27x864xf32>
    %swap3A_315 = vector.shape_cast %swap3A_314 : vector<1x1x1x27x864xf32> to vector<27x864xf32>
    %swap3A_316 = vector.shape_cast %dot_general3A_308 : vector<27x864xf32> to vector<1x1x1x27x864xf32>
    tpu.vector_store %arg4[%swap3A_309, %swap3A_310, %swap3A_311, %swap3A_312, %swap3A_313], %swap3A_316 {strides = array<i32>} : memref<1x1x27x27x864xf32, #tpu.memory_space<vmem>>, vector<1x1x1x27x864xf32>,
    %get3A_317 = arith.constant 0 : index
    %get3A_318 = arith.constant 0 : index
    %get3A_319 = arith.constant 16 : index
    %get3A_320 = arith.constant 0 : index
    %get3A_321 = arith.constant 0 : index
    %get3A_322 = vector.load %arg2[%get3A_317, %get3A_318, %get3A_319, %get3A_320, %get3A_321] : memref<1x1x27x27x135xbf16, #tpu.memory_space<vmem>>, vector<1x1x1x27x135xbf16>
    %get3A_323 = vector.shape_cast %get3A_322 : vector<1x1x1x27x135xbf16> to vector<27x135xbf16>
    %get3A_324 = arith.constant 0 : index
    %get3A_325 = arith.constant 0 : index
    %get3A_326 = vector.load %arg3[%get3A_324, %get3A_325] : memref<135x864xbf16, #tpu.memory_space<vmem>>, vector<135x864xbf16>
    %dot_general3A_327 = arith.constant dense<0.000000e+00> : vector<27x864xf32>
    %dot_general3A_328 = tpu.matmul %get3A_323, %get3A_326, %dot_general3A_327 {dimension_numbers = #tpu.dot_dimension_numbers<[1], [0], [0], [1], [0, 0, 1, 1], [], []>, transpose_lhs_hint = false} : vector<27x135xbf16>, vector<135x864xbf16>, vector<27x864xf32> -> vector<27x864xf32>
    %swap3A_329 = arith.constant 0 : index
    %swap3A_330 = arith.constant 0 : index
    %swap3A_331 = arith.constant 16 : index
    %swap3A_332 = arith.constant 0 : index
    %swap3A_333 = arith.constant 0 : index
    %swap3A_334 = vector.load %arg4[%swap3A_329, %swap3A_330, %swap3A_331, %swap3A_332, %swap3A_333] : memref<1x1x27x27x864xf32, #tpu.memory_space<vmem>>, vector<1x1x1x27x864xf32>
    %swap3A_335 = vector.shape_cast %swap3A_334 : vector<1x1x1x27x864xf32> to vector<27x864xf32>
    %swap3A_336 = vector.shape_cast %dot_general3A_328 : vector<27x864xf32> to vector<1x1x1x27x864xf32>
    tpu.vector_store %arg4[%swap3A_329, %swap3A_330, %swap3A_331, %swap3A_332, %swap3A_333], %swap3A_336 {strides = array<i32>} : memref<1x1x27x27x864xf32, #tpu.memory_space<vmem>>, vector<1x1x1x27x864xf32>,
    %get3A_337 = arith.constant 0 : index
    %get3A_338 = arith.constant 0 : index
    %get3A_339 = arith.constant 17 : index
    %get3A_340 = arith.constant 0 : index
    %get3A_341 = arith.constant 0 : index
    %get3A_342 = vector.load %arg2[%get3A_337, %get3A_338, %get3A_339, %get3A_340, %get3A_341] : memref<1x1x27x27x135xbf16, #tpu.memory_space<vmem>>, vector<1x1x1x27x135xbf16>
    %get3A_343 = vector.shape_cast %get3A_342 : vector<1x1x1x27x135xbf16> to vector<27x135xbf16>
    %get3A_344 = arith.constant 0 : index
    %get3A_345 = arith.constant 0 : index
    %get3A_346 = vector.load %arg3[%get3A_344, %get3A_345] : memref<135x864xbf16, #tpu.memory_space<vmem>>, vector<135x864xbf16>
    %dot_general3A_347 = arith.constant dense<0.000000e+00> : vector<27x864xf32>
    %dot_general3A_348 = tpu.matmul %get3A_343, %get3A_346, %dot_general3A_347 {dimension_numbers = #tpu.dot_dimension_numbers<[1], [0], [0], [1], [0, 0, 1, 1], [], []>, transpose_lhs_hint = false} : vector<27x135xbf16>, vector<135x864xbf16>, vector<27x864xf32> -> vector<27x864xf32>
    %swap3A_349 = arith.constant 0 : index
    %swap3A_350 = arith.constant 0 : index
    %swap3A_351 = arith.constant 17 : index
    %swap3A_352 = arith.constant 0 : index
    %swap3A_353 = arith.constant 0 : index
    %swap3A_354 = vector.load %arg4[%swap3A_349, %swap3A_350, %swap3A_351, %swap3A_352, %swap3A_353] : memref<1x1x27x27x864xf32, #tpu.memory_space<vmem>>, vector<1x1x1x27x864xf32>
    %swap3A_355 = vector.shape_cast %swap3A_354 : vector<1x1x1x27x864xf32> to vector<27x864xf32>
    %swap3A_356 = vector.shape_cast %dot_general3A_348 : vector<27x864xf32> to vector<1x1x1x27x864xf32>
    tpu.vector_store %arg4[%swap3A_349, %swap3A_350, %swap3A_351, %swap3A_352, %swap3A_353], %swap3A_356 {strides = array<i32>} : memref<1x1x27x27x864xf32, #tpu.memory_space<vmem>>, vector<1x1x1x27x864xf32>,
    %get3A_357 = arith.constant 0 : index
    %get3A_358 = arith.constant 0 : index
    %get3A_359 = arith.constant 18 : index
    %get3A_360 = arith.constant 0 : index
    %get3A_361 = arith.constant 0 : index
    %get3A_362 = vector.load %arg2[%get3A_357, %get3A_358, %get3A_359, %get3A_360, %get3A_361] : memref<1x1x27x27x135xbf16, #tpu.memory_space<vmem>>, vector<1x1x1x27x135xbf16>
    %get3A_363 = vector.shape_cast %get3A_362 : vector<1x1x1x27x135xbf16> to vector<27x135xbf16>
    %get3A_364 = arith.constant 0 : index
    %get3A_365 = arith.constant 0 : index
    %get3A_366 = vector.load %arg3[%get3A_364, %get3A_365] : memref<135x864xbf16, #tpu.memory_space<vmem>>, vector<135x864xbf16>
    %dot_general3A_367 = arith.constant dense<0.000000e+00> : vector<27x864xf32>
    %dot_general3A_368 = tpu.matmul %get3A_363, %get3A_366, %dot_general3A_367 {dimension_numbers = #tpu.dot_dimension_numbers<[1], [0], [0], [1], [0, 0, 1, 1], [], []>, transpose_lhs_hint = false} : vector<27x135xbf16>, vector<135x864xbf16>, vector<27x864xf32> -> vector<27x864xf32>
    %swap3A_369 = arith.constant 0 : index
    %swap3A_370 = arith.constant 0 : index
    %swap3A_371 = arith.constant 18 : index
    %swap3A_372 = arith.constant 0 : index
    %swap3A_373 = arith.constant 0 : index
    %swap3A_374 = vector.load %arg4[%swap3A_369, %swap3A_370, %swap3A_371, %swap3A_372, %swap3A_373] : memref<1x1x27x27x864xf32, #tpu.memory_space<vmem>>, vector<1x1x1x27x864xf32>
    %swap3A_375 = vector.shape_cast %swap3A_374 : vector<1x1x1x27x864xf32> to vector<27x864xf32>
    %swap3A_376 = vector.shape_cast %dot_general3A_368 : vector<27x864xf32> to vector<1x1x1x27x864xf32>
    tpu.vector_store %arg4[%swap3A_369, %swap3A_370, %swap3A_371, %swap3A_372, %swap3A_373], %swap3A_376 {strides = array<i32>} : memref<1x1x27x27x864xf32, #tpu.memory_space<vmem>>, vector<1x1x1x27x864xf32>,
    %get3A_377 = arith.constant 0 : index
    %get3A_378 = arith.constant 0 : index
    %get3A_379 = arith.constant 19 : index
    %get3A_380 = arith.constant 0 : index
    %get3A_381 = arith.constant 0 : index
    %get3A_382 = vector.load %arg2[%get3A_377, %get3A_378, %get3A_379, %get3A_380, %get3A_381] : memref<1x1x27x27x135xbf16, #tpu.memory_space<vmem>>, vector<1x1x1x27x135xbf16>
    %get3A_383 = vector.shape_cast %get3A_382 : vector<1x1x1x27x135xbf16> to vector<27x135xbf16>
    %get3A_384 = arith.constant 0 : index
    %get3A_385 = arith.constant 0 : index
    %get3A_386 = vector.load %arg3[%get3A_384, %get3A_385] : memref<135x864xbf16, #tpu.memory_space<vmem>>, vector<135x864xbf16>
    %dot_general3A_387 = arith.constant dense<0.000000e+00> : vector<27x864xf32>
    %dot_general3A_388 = tpu.matmul %get3A_383, %get3A_386, %dot_general3A_387 {dimension_numbers = #tpu.dot_dimension_numbers<[1], [0], [0], [1], [0, 0, 1, 1], [], []>, transpose_lhs_hint = false} : vector<27x135xbf16>, vector<135x864xbf16>, vector<27x864xf32> -> vector<27x864xf32>
    %swap3A_389 = arith.constant 0 : index
    %swap3A_390 = arith.constant 0 : index
    %swap3A_391 = arith.constant 19 : index
    %swap3A_392 = arith.constant 0 : index
    %swap3A_393 = arith.constant 0 : index
    %swap3A_394 = vector.load %arg4[%swap3A_389, %swap3A_390, %swap3A_391, %swap3A_392, %swap3A_393] : memref<1x1x27x27x864xf32, #tpu.memory_space<vmem>>, vector<1x1x1x27x864xf32>
    %swap3A_395 = vector.shape_cast %swap3A_394 : vector<1x1x1x27x864xf32> to vector<27x864xf32>
    %swap3A_396 = vector.shape_cast %dot_general3A_388 : vector<27x864xf32> to vector<1x1x1x27x864xf32>
    tpu.vector_store %arg4[%swap3A_389, %swap3A_390, %swap3A_391, %swap3A_392, %swap3A_393], %swap3A_396 {strides = array<i32>} : memref<1x1x27x27x864xf32, #tpu.memory_space<vmem>>, vector<1x1x1x27x864xf32>,
    %get3A_397 = arith.constant 0 : index
    %get3A_398 = arith.constant 0 : index
    %get3A_399 = arith.constant 20 : index
    %get3A_400 = arith.constant 0 : index
    %get3A_401 = arith.constant 0 : index
    %get3A_402 = vector.load %arg2[%get3A_397, %get3A_398, %get3A_399, %get3A_400, %get3A_401] : memref<1x1x27x27x135xbf16, #tpu.memory_space<vmem>>, vector<1x1x1x27x135xbf16>
    %get3A_403 = vector.shape_cast %get3A_402 : vector<1x1x1x27x135xbf16> to vector<27x135xbf16>
    %get3A_404 = arith.constant 0 : index
    %get3A_405 = arith.constant 0 : index
    %get3A_406 = vector.load %arg3[%get3A_404, %get3A_405] : memref<135x864xbf16, #tpu.memory_space<vmem>>, vector<135x864xbf16>
    %dot_general3A_407 = arith.constant dense<0.000000e+00> : vector<27x864xf32>
    %dot_general3A_408 = tpu.matmul %get3A_403, %get3A_406, %dot_general3A_407 {dimension_numbers = #tpu.dot_dimension_numbers<[1], [0], [0], [1], [0, 0, 1, 1], [], []>, transpose_lhs_hint = false} : vector<27x135xbf16>, vector<135x864xbf16>, vector<27x864xf32> -> vector<27x864xf32>
    %swap3A_409 = arith.constant 0 : index
    %swap3A_410 = arith.constant 0 : index
    %swap3A_411 = arith.constant 20 : index
    %swap3A_412 = arith.constant 0 : index
    %swap3A_413 = arith.constant 0 : index
    %swap3A_414 = vector.load %arg4[%swap3A_409, %swap3A_410, %swap3A_411, %swap3A_412, %swap3A_413] : memref<1x1x27x27x864xf32, #tpu.memory_space<vmem>>, vector<1x1x1x27x864xf32>
    %swap3A_415 = vector.shape_cast %swap3A_414 : vector<1x1x1x27x864xf32> to vector<27x864xf32>
    %swap3A_416 = vector.shape_cast %dot_general3A_408 : vector<27x864xf32> to vector<1x1x1x27x864xf32>
    tpu.vector_store %arg4[%swap3A_409, %swap3A_410, %swap3A_411, %swap3A_412, %swap3A_413], %swap3A_416 {strides = array<i32>} : memref<1x1x27x27x864xf32, #tpu.memory_space<vmem>>, vector<1x1x1x27x864xf32>,
    %get3A_417 = arith.constant 0 : index
    %get3A_418 = arith.constant 0 : index
    %get3A_419 = arith.constant 21 : index
    %get3A_420 = arith.constant 0 : index
    %get3A_421 = arith.constant 0 : index
    %get3A_422 = vector.load %arg2[%get3A_417, %get3A_418, %get3A_419, %get3A_420, %get3A_421] : memref<1x1x27x27x135xbf16, #tpu.memory_space<vmem>>, vector<1x1x1x27x135xbf16>
    %get3A_423 = vector.shape_cast %get3A_422 : vector<1x1x1x27x135xbf16> to vector<27x135xbf16>
    %get3A_424 = arith.constant 0 : index
    %get3A_425 = arith.constant 0 : index
    %get3A_426 = vector.load %arg3[%get3A_424, %get3A_425] : memref<135x864xbf16, #tpu.memory_space<vmem>>, vector<135x864xbf16>
    %dot_general3A_427 = arith.constant dense<0.000000e+00> : vector<27x864xf32>
    %dot_general3A_428 = tpu.matmul %get3A_423, %get3A_426, %dot_general3A_427 {dimension_numbers = #tpu.dot_dimension_numbers<[1], [0], [0], [1], [0, 0, 1, 1], [], []>, transpose_lhs_hint = false} : vector<27x135xbf16>, vector<135x864xbf16>, vector<27x864xf32> -> vector<27x864xf32>
    %swap3A_429 = arith.constant 0 : index
    %swap3A_430 = arith.constant 0 : index
    %swap3A_431 = arith.constant 21 : index
    %swap3A_432 = arith.constant 0 : index
    %swap3A_433 = arith.constant 0 : index
    %swap3A_434 = vector.load %arg4[%swap3A_429, %swap3A_430, %swap3A_431, %swap3A_432, %swap3A_433] : memref<1x1x27x27x864xf32, #tpu.memory_space<vmem>>, vector<1x1x1x27x864xf32>
    %swap3A_435 = vector.shape_cast %swap3A_434 : vector<1x1x1x27x864xf32> to vector<27x864xf32>
    %swap3A_436 = vector.shape_cast %dot_general3A_428 : vector<27x864xf32> to vector<1x1x1x27x864xf32>
    tpu.vector_store %arg4[%swap3A_429, %swap3A_430, %swap3A_431, %swap3A_432, %swap3A_433], %swap3A_436 {strides = array<i32>} : memref<1x1x27x27x864xf32, #tpu.memory_space<vmem>>, vector<1x1x1x27x864xf32>,
    %get3A_437 = arith.constant 0 : index
    %get3A_438 = arith.constant 0 : index
    %get3A_439 = arith.constant 22 : index
    %get3A_440 = arith.constant 0 : index
    %get3A_441 = arith.constant 0 : index
    %get3A_442 = vector.load %arg2[%get3A_437, %get3A_438, %get3A_439, %get3A_440, %get3A_441] : memref<1x1x27x27x135xbf16, #tpu.memory_space<vmem>>, vector<1x1x1x27x135xbf16>
    %get3A_443 = vector.shape_cast %get3A_442 : vector<1x1x1x27x135xbf16> to vector<27x135xbf16>
    %get3A_444 = arith.constant 0 : index
    %get3A_445 = arith.constant 0 : index
    %get3A_446 = vector.load %arg3[%get3A_444, %get3A_445] : memref<135x864xbf16, #tpu.memory_space<vmem>>, vector<135x864xbf16>
    %dot_general3A_447 = arith.constant dense<0.000000e+00> : vector<27x864xf32>
    %dot_general3A_448 = tpu.matmul %get3A_443, %get3A_446, %dot_general3A_447 {dimension_numbers = #tpu.dot_dimension_numbers<[1], [0], [0], [1], [0, 0, 1, 1], [], []>, transpose_lhs_hint = false} : vector<27x135xbf16>, vector<135x864xbf16>, vector<27x864xf32> -> vector<27x864xf32>
    %swap3A_449 = arith.constant 0 : index
    %swap3A_450 = arith.constant 0 : index
    %swap3A_451 = arith.constant 22 : index
    %swap3A_452 = arith.constant 0 : index
    %swap3A_453 = arith.constant 0 : index
    %swap3A_454 = vector.load %arg4[%swap3A_449, %swap3A_450, %swap3A_451, %swap3A_452, %swap3A_453] : memref<1x1x27x27x864xf32, #tpu.memory_space<vmem>>, vector<1x1x1x27x864xf32>
    %swap3A_455 = vector.shape_cast %swap3A_454 : vector<1x1x1x27x864xf32> to vector<27x864xf32>
    %swap3A_456 = vector.shape_cast %dot_general3A_448 : vector<27x864xf32> to vector<1x1x1x27x864xf32>
    tpu.vector_store %arg4[%swap3A_449, %swap3A_450, %swap3A_451, %swap3A_452, %swap3A_453], %swap3A_456 {strides = array<i32>} : memref<1x1x27x27x864xf32, #tpu.memory_space<vmem>>, vector<1x1x1x27x864xf32>,
    %get3A_457 = arith.constant 0 : index
    %get3A_458 = arith.constant 0 : index
    %get3A_459 = arith.constant 23 : index
    %get3A_460 = arith.constant 0 : index
    %get3A_461 = arith.constant 0 : index
    %get3A_462 = vector.load %arg2[%get3A_457, %get3A_458, %get3A_459, %get3A_460, %get3A_461] : memref<1x1x27x27x135xbf16, #tpu.memory_space<vmem>>, vector<1x1x1x27x135xbf16>
    %get3A_463 = vector.shape_cast %get3A_462 : vector<1x1x1x27x135xbf16> to vector<27x135xbf16>
    %get3A_464 = arith.constant 0 : index
    %get3A_465 = arith.constant 0 : index
    %get3A_466 = vector.load %arg3[%get3A_464, %get3A_465] : memref<135x864xbf16, #tpu.memory_space<vmem>>, vector<135x864xbf16>
    %dot_general3A_467 = arith.constant dense<0.000000e+00> : vector<27x864xf32>
    %dot_general3A_468 = tpu.matmul %get3A_463, %get3A_466, %dot_general3A_467 {dimension_numbers = #tpu.dot_dimension_numbers<[1], [0], [0], [1], [0, 0, 1, 1], [], []>, transpose_lhs_hint = false} : vector<27x135xbf16>, vector<135x864xbf16>, vector<27x864xf32> -> vector<27x864xf32>
    %swap3A_469 = arith.constant 0 : index
    %swap3A_470 = arith.constant 0 : index
    %swap3A_471 = arith.constant 23 : index
    %swap3A_472 = arith.constant 0 : index
    %swap3A_473 = arith.constant 0 : index
    %swap3A_474 = vector.load %arg4[%swap3A_469, %swap3A_470, %swap3A_471, %swap3A_472, %swap3A_473] : memref<1x1x27x27x864xf32, #tpu.memory_space<vmem>>, vector<1x1x1x27x864xf32>
    %swap3A_475 = vector.shape_cast %swap3A_474 : vector<1x1x1x27x864xf32> to vector<27x864xf32>
    %swap3A_476 = vector.shape_cast %dot_general3A_468 : vector<27x864xf32> to vector<1x1x1x27x864xf32>
    tpu.vector_store %arg4[%swap3A_469, %swap3A_470, %swap3A_471, %swap3A_472, %swap3A_473], %swap3A_476 {strides = array<i32>} : memref<1x1x27x27x864xf32, #tpu.memory_space<vmem>>, vector<1x1x1x27x864xf32>,
    %get3A_477 = arith.constant 0 : index
    %get3A_478 = arith.constant 0 : index
    %get3A_479 = arith.constant 24 : index
    %get3A_480 = arith.constant 0 : index
    %get3A_481 = arith.constant 0 : index
    %get3A_482 = vector.load %arg2[%get3A_477, %get3A_478, %get3A_479, %get3A_480, %get3A_481] : memref<1x1x27x27x135xbf16, #tpu.memory_space<vmem>>, vector<1x1x1x27x135xbf16>
    %get3A_483 = vector.shape_cast %get3A_482 : vector<1x1x1x27x135xbf16> to vector<27x135xbf16>
    %get3A_484 = arith.constant 0 : index
    %get3A_485 = arith.constant 0 : index
    %get3A_486 = vector.load %arg3[%get3A_484, %get3A_485] : memref<135x864xbf16, #tpu.memory_space<vmem>>, vector<135x864xbf16>
    %dot_general3A_487 = arith.constant dense<0.000000e+00> : vector<27x864xf32>
    %dot_general3A_488 = tpu.matmul %get3A_483, %get3A_486, %dot_general3A_487 {dimension_numbers = #tpu.dot_dimension_numbers<[1], [0], [0], [1], [0, 0, 1, 1], [], []>, transpose_lhs_hint = false} : vector<27x135xbf16>, vector<135x864xbf16>, vector<27x864xf32> -> vector<27x864xf32>
    %swap3A_489 = arith.constant 0 : index
    %swap3A_490 = arith.constant 0 : index
    %swap3A_491 = arith.constant 24 : index
    %swap3A_492 = arith.constant 0 : index
    %swap3A_493 = arith.constant 0 : index
    %swap3A_494 = vector.load %arg4[%swap3A_489, %swap3A_490, %swap3A_491, %swap3A_492, %swap3A_493] : memref<1x1x27x27x864xf32, #tpu.memory_space<vmem>>, vector<1x1x1x27x864xf32>
    %swap3A_495 = vector.shape_cast %swap3A_494 : vector<1x1x1x27x864xf32> to vector<27x864xf32>
    %swap3A_496 = vector.shape_cast %dot_general3A_488 : vector<27x864xf32> to vector<1x1x1x27x864xf32>
    tpu.vector_store %arg4[%swap3A_489, %swap3A_490, %swap3A_491, %swap3A_492, %swap3A_493], %swap3A_496 {strides = array<i32>} : memref<1x1x27x27x864xf32, #tpu.memory_space<vmem>>, vector<1x1x1x27x864xf32>,
    %get3A_497 = arith.constant 0 : index
    %get3A_498 = arith.constant 0 : index
    %get3A_499 = arith.constant 25 : index
    %get3A_500 = arith.constant 0 : index
    %get3A_501 = arith.constant 0 : index
    %get3A_502 = vector.load %arg2[%get3A_497, %get3A_498, %get3A_499, %get3A_500, %get3A_501] : memref<1x1x27x27x135xbf16, #tpu.memory_space<vmem>>, vector<1x1x1x27x135xbf16>
    %get3A_503 = vector.shape_cast %get3A_502 : vector<1x1x1x27x135xbf16> to vector<27x135xbf16>
    %get3A_504 = arith.constant 0 : index
    %get3A_505 = arith.constant 0 : index
    %get3A_506 = vector.load %arg3[%get3A_504, %get3A_505] : memref<135x864xbf16, #tpu.memory_space<vmem>>, vector<135x864xbf16>
    %dot_general3A_507 = arith.constant dense<0.000000e+00> : vector<27x864xf32>
    %dot_general3A_508 = tpu.matmul %get3A_503, %get3A_506, %dot_general3A_507 {dimension_numbers = #tpu.dot_dimension_numbers<[1], [0], [0], [1], [0, 0, 1, 1], [], []>, transpose_lhs_hint = false} : vector<27x135xbf16>, vector<135x864xbf16>, vector<27x864xf32> -> vector<27x864xf32>
    %swap3A_509 = arith.constant 0 : index
    %swap3A_510 = arith.constant 0 : index
    %swap3A_511 = arith.constant 25 : index
    %swap3A_512 = arith.constant 0 : index
    %swap3A_513 = arith.constant 0 : index
    %swap3A_514 = vector.load %arg4[%swap3A_509, %swap3A_510, %swap3A_511, %swap3A_512, %swap3A_513] : memref<1x1x27x27x864xf32, #tpu.memory_space<vmem>>, vector<1x1x1x27x864xf32>
    %swap3A_515 = vector.shape_cast %swap3A_514 : vector<1x1x1x27x864xf32> to vector<27x864xf32>
    %swap3A_516 = vector.shape_cast %dot_general3A_508 : vector<27x864xf32> to vector<1x1x1x27x864xf32>
    tpu.vector_store %arg4[%swap3A_509, %swap3A_510, %swap3A_511, %swap3A_512, %swap3A_513], %swap3A_516 {strides = array<i32>} : memref<1x1x27x27x864xf32, #tpu.memory_space<vmem>>, vector<1x1x1x27x864xf32>,
    %get3A_517 = arith.constant 0 : index
    %get3A_518 = arith.constant 0 : index
    %get3A_519 = arith.constant 26 : index
    %get3A_520 = arith.constant 0 : index
    %get3A_521 = arith.constant 0 : index
    %get3A_522 = vector.load %arg2[%get3A_517, %get3A_518, %get3A_519, %get3A_520, %get3A_521] : memref<1x1x27x27x135xbf16, #tpu.memory_space<vmem>>, vector<1x1x1x27x135xbf16>
    %get3A_523 = vector.shape_cast %get3A_522 : vector<1x1x1x27x135xbf16> to vector<27x135xbf16>
    %get3A_524 = arith.constant 0 : index
    %get3A_525 = arith.constant 0 : index
    %get3A_526 = vector.load %arg3[%get3A_524, %get3A_525] : memref<135x864xbf16, #tpu.memory_space<vmem>>, vector<135x864xbf16>
    %dot_general3A_527 = arith.constant dense<0.000000e+00> : vector<27x864xf32>
    %dot_general3A_528 = tpu.matmul %get3A_523, %get3A_526, %dot_general3A_527 {dimension_numbers = #tpu.dot_dimension_numbers<[1], [0], [0], [1], [0, 0, 1, 1], [], []>, transpose_lhs_hint = false} : vector<27x135xbf16>, vector<135x864xbf16>, vector<27x864xf32> -> vector<27x864xf32>
    %swap3A_529 = arith.constant 0 : index
    %swap3A_530 = arith.constant 0 : index
    %swap3A_531 = arith.constant 26 : index
    %swap3A_532 = arith.constant 0 : index
    %swap3A_533 = arith.constant 0 : index
    %swap3A_534 = vector.load %arg4[%swap3A_529, %swap3A_530, %swap3A_531, %swap3A_532, %swap3A_533] : memref<1x1x27x27x864xf32, #tpu.memory_space<vmem>>, vector<1x1x1x27x864xf32>
    %swap3A_535 = vector.shape_cast %swap3A_534 : vector<1x1x1x27x864xf32> to vector<27x864xf32>
    %swap3A_536 = vector.shape_cast %dot_general3A_528 : vector<27x864xf32> to vector<1x1x1x27x864xf32>
    tpu.vector_store %arg4[%swap3A_529, %swap3A_530, %swap3A_531, %swap3A_532, %swap3A_533], %swap3A_536 {strides = array<i32>} : memref<1x1x27x27x864xf32, #tpu.memory_space<vmem>>, vector<1x1x1x27x864xf32>,
    return
  }
  func.func @transform_0(%arg0: i32, %arg1: i32) -> (i32, i32, i32, i32, i32) {
    %c0_i32 = arith.constant 0 : i32
    %c0_i32_0 = arith.constant 0 : i32
    %c0_i32_1 = arith.constant 0 : i32
    %c0_i32_2 = arith.constant 0 : i32
    return %arg0, %arg1, %c0_i32, %c0_i32_0, %c0_i32_1 : i32, i32, i32, i32, i32
  }
  func.func @transform_1(%arg0: i32, %arg1: i32) -> (i32, i32) {
    %c0_i32 = arith.constant 0 : i32
    %c0_i32_0 = arith.constant 0 : i32
    %c0_i32_1 = arith.constant 0 : i32
    return %c0_i32, %c0_i32_0 : i32, i32
  }
  func.func @transform_2(%arg0: i32, %arg1: i32) -> (i32, i32, i32, i32, i32) {
    %c0_i32 = arith.constant 0 : i32
    %c0_i32_0 = arith.constant 0 : i32
    %c0_i32_1 = arith.constant 0 : i32
    %c0_i32_2 = arith.constant 0 : i32
    return %arg0, %arg1, %c0_i32, %c0_i32_0, %c0_i32_1 : i32, i32, i32, i32, i32
  }
}

module attributes {stable_mosaic.version = 14 : i64} {
  func.func @_main_body(%arg0: i32, %arg1: memref<1x27x1xi32, #tpu.memory_space<vmem>>, %arg2: memref<1x1x1xi32, #tpu.memory_space<vmem>>, %arg3: memref<1x27x729xf32, #tpu.memory_space<vmem>>, %arg4: memref<1x27x27xf32, #tpu.memory_space<vmem>>, %arg5: memref<1x1x729xf32, #tpu.memory_space<vmem>>, %arg6: memref<1x27x27xf32, #tpu.memory_space<vmem>>, %arg7: memref<1x1x729xf32, #tpu.memory_space<vmem>>, %arg8: memref<1x3x27xf32, #tpu.memory_space<vmem>>, %arg9: memref<1x27x5xf32, #tpu.memory_space<vmem>>, %arg10: memref<1x1x27xf32, #tpu.memory_space<vmem>>, %arg11: memref<1x1x27xf32, #tpu.memory_space<vmem>>, %arg12: memref<1x27x27xf32, #tpu.memory_space<vmem>>, %arg13: memref<1x27x27xf32, #tpu.memory_space<vmem>>, %arg14: memref<2000x20xf32, #tpu.memory_space<vmem>>, %arg15: memref<8x32xf32, #tpu.memory_space<vmem>>, %arg16: memref<5x42xf32, #tpu.memory_space<vmem>>, %arg17: memref<1x42xf32, #tpu.memory_space<vmem>>, %arg18: memref<1x27x729xf32, #tpu.memory_space<vmem>>, %arg19: memref<1x27x729xf32, #tpu.memory_space<vmem>>, %arg20: memref<1x27x27x32xf32, #tpu.memory_space<vmem>>, %arg21: memref<1x8x27x27xf32, #tpu.memory_space<vmem>>, %arg22: memref<1x2x27x27xf32, #tpu.memory_space<vmem>>, %arg23: memref<1x27x42xf32, #tpu.memory_space<vmem>>, %arg24: memref<1x1x20xf32, #tpu.memory_space<vmem>>) attributes {dimension_semantics = [#tpu.dimension_semantics<arbitrary>], iteration_bounds = array<i64: 32>, scalar_prefetch = 0 : i64, scratch_operands = 0 : i64, tpu.core_type = #tpu.core_type<tc>, window_params = [{transform_indices = @transform_0, window_bounds = array<i64: 1, 27, 1>}, {transform_indices = @transform_1, window_bounds = array<i64: 1, 1, 1>}, {transform_indices = @transform_2, window_bounds = array<i64: 1, 27, 729>}, {transform_indices = @transform_3, window_bounds = array<i64: 1, 27, 27>}, {transform_indices = @transform_4, window_bounds = array<i64: 1, 1, 729>}, {transform_indices = @transform_5, window_bounds = array<i64: 1, 27, 27>}, {transform_indices = @transform_6, window_bounds = array<i64: 1, 1, 729>}, {transform_indices = @transform_7, window_bounds = array<i64: 1, 3, 27>}, {transform_indices = @transform_8, window_bounds = array<i64: 1, 27, 5>}, {transform_indices = @transform_9, window_bounds = array<i64: 1, 1, 27>}, {transform_indices = @transform_10, window_bounds = array<i64: 1, 1, 27>}, {transform_indices = @transform_11, window_bounds = array<i64: 1, 27, 27>}, {transform_indices = @transform_12, window_bounds = array<i64: 1, 27, 27>}, {pipeline_mode = #tpu.pipeline_mode<synchronous>, transform_indices = @transform_13, window_bounds = array<i64: 2000, 20>}, {pipeline_mode = #tpu.pipeline_mode<synchronous>, transform_indices = @transform_14, window_bounds = array<i64: 8, 32>}, {pipeline_mode = #tpu.pipeline_mode<synchronous>, transform_indices = @transform_15, window_bounds = array<i64: 5, 42>}, {pipeline_mode = #tpu.pipeline_mode<synchronous>, transform_indices = @transform_16, window_bounds = array<i64: 1, 42>}, {transform_indices = @transform_17, window_bounds = array<i64: 1, 27, 729>}, {transform_indices = @transform_18, window_bounds = array<i64: 1, 27, 729>}, {transform_indices = @transform_19, window_bounds = array<i64: 1, 27, 27, 32>}, {transform_indices = @transform_20, window_bounds = array<i64: 1, 8, 27, 27>}, {transform_indices = @transform_21, window_bounds = array<i64: 1, 2, 27, 27>}, {transform_indices = @transform_22, window_bounds = array<i64: 1, 27, 42>}, {transform_indices = @transform_23, window_bounds = array<i64: 1, 1, 20>}]} {
    %get3A = arith.constant 0 : index
    %get3A_0 = arith.constant 0 : index
    %get3A_1 = arith.constant 0 : index
    %get3A_2 = vector.load %arg1[%get3A, %get3A_0, %get3A_1] : memref<1x27x1xi32, #tpu.memory_space<vmem>>, vector<1x27x1xi32>
    %get3A_3 = vector.shape_cast %get3A_2 : vector<1x27x1xi32> to vector<27x1xi32>
    %iota3A = tpu.iota {dimensions = array<i32: 1>} : vector<27x27xi32>
    %eq3A = vector.broadcast %get3A_3 : vector<27x1xi32> to vector<27x27xi32>
    %eq3A_4 = arith.cmpi eq, %iota3A, %eq3A : vector<27x27xi32>
    %convert_element_type3A = arith.extui %eq3A_4 : vector<27x27xi1> to vector<27x27xi32>
    %convert_element_type3A_5 = arith.sitofp %convert_element_type3A : vector<27x27xi32> to vector<27x27xf32>
    %get3A_6 = arith.constant 0 : index
    %get3A_7 = arith.constant 0 : index
    %get3A_8 = arith.constant 0 : index
    %get3A_9 = vector.load %arg4[%get3A_6, %get3A_7, %get3A_8] : memref<1x27x27xf32, #tpu.memory_space<vmem>>, vector<1x27x27xf32>
    %get3A_10 = vector.shape_cast %get3A_9 : vector<1x27x27xf32> to vector<27x27xf32>
    %dot_general3A = arith.constant dense<0.000000e+00> : vector<27x27xf32>
    %dot_general3A_11 = tpu.matmul %convert_element_type3A_5, %get3A_10, %dot_general3A {dimension_numbers = #tpu.dot_dimension_numbers<[1], [0], [0], [1], [0, 0, 1, 1], [], []>, transpose_lhs_hint = false} : vector<27x27xf32>, vector<27x27xf32>, vector<27x27xf32> -> vector<27x27xf32>
    %get3A_12 = arith.constant 0 : index
    %get3A_13 = arith.constant 0 : index
    %get3A_14 = arith.constant 0 : index
    %get3A_15 = vector.load %arg6[%get3A_12, %get3A_13, %get3A_14] : memref<1x27x27xf32, #tpu.memory_space<vmem>>, vector<1x27x27xf32>
    %get3A_16 = vector.shape_cast %get3A_15 : vector<1x27x27xf32> to vector<27x27xf32>
    %dot_general3A_17 = arith.constant dense<0.000000e+00> : vector<27x27xf32>
    %dot_general3A_18 = tpu.matmul %convert_element_type3A_5, %get3A_16, %dot_general3A_17 {dimension_numbers = #tpu.dot_dimension_numbers<[1], [0], [0], [1], [0, 0, 1, 1], [], []>, transpose_lhs_hint = false} : vector<27x27xf32>, vector<27x27xf32>, vector<27x27xf32> -> vector<27x27xf32>
    %get3A_19 = arith.constant 0 : index
    %get3A_20 = arith.constant 0 : index
    %get3A_21 = arith.constant 0 : index
    %get3A_22 = vector.load %arg9[%get3A_19, %get3A_20, %get3A_21] : memref<1x27x5xf32, #tpu.memory_space<vmem>>, vector<1x27x5xf32>
    %get3A_23 = vector.shape_cast %get3A_22 : vector<1x27x5xf32> to vector<27x5xf32>
    %dot_general3A_24 = arith.constant dense<0.000000e+00> : vector<27x5xf32>
    %dot_general3A_25 = tpu.matmul %convert_element_type3A_5, %get3A_23, %dot_general3A_24 {dimension_numbers = #tpu.dot_dimension_numbers<[1], [0], [0], [1], [0, 0, 1, 1], [], []>, transpose_lhs_hint = false} : vector<27x27xf32>, vector<27x5xf32>, vector<27x5xf32> -> vector<27x5xf32>
    %slice3A = vector.extract_strided_slice %dot_general3A_25 {offsets = [0, 3], sizes = [27, 1], strides = [1, 1]} : vector<27x5xf32> to vector<27x1xf32>
    %get3A_26 = arith.constant 0 : index
    %get3A_27 = arith.constant 0 : index
    %get3A_28 = vector.load %arg16[%get3A_26, %get3A_27] : memref<5x42xf32, #tpu.memory_space<vmem>>, vector<5x42xf32>
    %dot_general3A_29 = arith.constant dense<0.000000e+00> : vector<27x42xf32>
    %dot_general3A_30 = tpu.matmul %dot_general3A_25, %get3A_28, %dot_general3A_29 {dimension_numbers = #tpu.dot_dimension_numbers<[1], [0], [0], [1], [0, 0, 1, 1], [], []>, transpose_lhs_hint = false} : vector<27x5xf32>, vector<5x42xf32>, vector<27x42xf32> -> vector<27x42xf32>
    %get3A_31 = arith.constant 0 : index
    %get3A_32 = arith.constant 0 : index
    %get3A_33 = vector.load %arg17[%get3A_31, %get3A_32] : memref<1x42xf32, #tpu.memory_space<vmem>>, vector<1x42xf32>
    %add3A = vector.broadcast %get3A_33 : vector<1x42xf32> to vector<27x42xf32>
    %add3A_34 = arith.addf %dot_general3A_30, %add3A : vector<27x42xf32>
    %swap3A = arith.constant 0 : index
    %swap3A_35 = arith.constant 0 : index
    %swap3A_36 = arith.constant 0 : index
    %swap3A_37 = vector.load %arg23[%swap3A, %swap3A_35, %swap3A_36] : memref<1x27x42xf32, #tpu.memory_space<vmem>>, vector<1x27x42xf32>
    %swap3A_38 = vector.shape_cast %swap3A_37 : vector<1x27x42xf32> to vector<27x42xf32>
    %swap3A_39 = vector.shape_cast %add3A_34 : vector<27x42xf32> to vector<1x27x42xf32>
    tpu.vector_store %arg23[%swap3A, %swap3A_35, %swap3A_36], %swap3A_39 {strides = array<i32>} : memref<1x27x42xf32, #tpu.memory_space<vmem>>, vector<1x27x42xf32>,
    %get3A_40 = arith.constant 0 : index
    %get3A_41 = arith.constant 0 : index
    %get3A_42 = arith.constant 0 : index
    %get3A_43 = vector.load %arg13[%get3A_40, %get3A_41, %get3A_42] : memref<1x27x27xf32, #tpu.memory_space<vmem>>, vector<1x27x27xf32>
    %get3A_44 = vector.shape_cast %get3A_43 : vector<1x27x27xf32> to vector<27x27xf32>
    %get3A_45 = arith.constant 0 : index
    %get3A_46 = arith.constant 0 : index
    %get3A_47 = arith.constant 0 : index
    %get3A_48 = vector.load %arg10[%get3A_45, %get3A_46, %get3A_47] : memref<1x1x27xf32, #tpu.memory_space<vmem>>, vector<1x1x27xf32>
    %get3A_49 = vector.shape_cast %get3A_48 : vector<1x1x27xf32> to vector<1x27xf32>
    %sub3A = vector.broadcast %get3A_49 : vector<1x27xf32> to vector<27x27xf32>
    %sub3A_50 = vector.broadcast %slice3A : vector<27x1xf32> to vector<27x27xf32>
    %sub3A_51 = arith.subf %sub3A, %sub3A_50 : vector<27x27xf32>
    %get3A_52 = arith.constant 0 : index
    %get3A_53 = arith.constant 0 : index
    %get3A_54 = arith.constant 0 : index
    %get3A_55 = vector.load %arg11[%get3A_52, %get3A_53, %get3A_54] : memref<1x1x27xf32, #tpu.memory_space<vmem>>, vector<1x1x27xf32>
    %get3A_56 = vector.shape_cast %get3A_55 : vector<1x1x27xf32> to vector<1x27xf32>
    %sub3A_57 = vector.broadcast %slice3A : vector<27x1xf32> to vector<27x27xf32>
    %sub3A_58 = vector.broadcast %get3A_56 : vector<1x27xf32> to vector<27x27xf32>
    %sub3A_59 = arith.subf %sub3A_57, %sub3A_58 : vector<27x27xf32>
    %mul3A = arith.mulf %dot_general3A_11, %get3A_44 : vector<27x27xf32>
    %mul3A_60 = arith.mulf %dot_general3A_18, %get3A_44 : vector<27x27xf32>
    %swap3A_61 = arith.constant 0 : index
    %swap3A_62 = arith.constant 0 : index
    %swap3A_63 = arith.constant 0 : index
    %swap3A_64 = arith.constant 0 : index
    %swap3A_65 = vector.load %arg22[%swap3A_61, %swap3A_62, %swap3A_63, %swap3A_64] : memref<1x2x27x27xf32, #tpu.memory_space<vmem>>, vector<1x1x27x27xf32>
    %swap3A_66 = vector.shape_cast %swap3A_65 : vector<1x1x27x27xf32> to vector<27x27xf32>
    %swap3A_67 = vector.shape_cast %mul3A : vector<27x27xf32> to vector<1x1x27x27xf32>
    tpu.vector_store %arg22[%swap3A_61, %swap3A_62, %swap3A_63, %swap3A_64], %swap3A_67 {strides = array<i32>} : memref<1x2x27x27xf32, #tpu.memory_space<vmem>>, vector<1x1x27x27xf32>,
    %swap3A_68 = arith.constant 0 : index
    %swap3A_69 = arith.constant 1 : index
    %swap3A_70 = arith.constant 0 : index
    %swap3A_71 = arith.constant 0 : index
    %swap3A_72 = vector.load %arg22[%swap3A_68, %swap3A_69, %swap3A_70, %swap3A_71] : memref<1x2x27x27xf32, #tpu.memory_space<vmem>>, vector<1x1x27x27xf32>
    %swap3A_73 = vector.shape_cast %swap3A_72 : vector<1x1x27x27xf32> to vector<27x27xf32>
    %swap3A_74 = vector.shape_cast %mul3A_60 : vector<27x27xf32> to vector<1x1x27x27xf32>
    tpu.vector_store %arg22[%swap3A_68, %swap3A_69, %swap3A_70, %swap3A_71], %swap3A_74 {strides = array<i32>} : memref<1x2x27x27xf32, #tpu.memory_space<vmem>>, vector<1x1x27x27xf32>,
    %get3A_75 = arith.constant 0 : index
    %get3A_76 = arith.constant 0 : index
    %get3A_77 = arith.constant 0 : index
    %get3A_78 = vector.load %arg8[%get3A_75, %get3A_76, %get3A_77] : memref<1x3x27xf32, #tpu.memory_space<vmem>>, vector<1x1x27xf32>
    %get3A_79 = vector.shape_cast %get3A_78 : vector<1x1x27xf32> to vector<1x27xf32>
    %mul3A_80 = vector.broadcast %get3A_79 : vector<1x27xf32> to vector<27x27xf32>
    %mul3A_81 = arith.mulf %mul3A_80, %get3A_44 : vector<27x27xf32>
    %swap3A_82 = arith.constant 0 : index
    %swap3A_83 = arith.constant 0 : index
    %swap3A_84 = arith.constant 0 : index
    %swap3A_85 = arith.constant 0 : index
    %swap3A_86 = vector.load %arg21[%swap3A_82, %swap3A_83, %swap3A_84, %swap3A_85] : memref<1x8x27x27xf32, #tpu.memory_space<vmem>>, vector<1x1x27x27xf32>
    %swap3A_87 = vector.shape_cast %swap3A_86 : vector<1x1x27x27xf32> to vector<27x27xf32>
    %swap3A_88 = vector.shape_cast %mul3A_81 : vector<27x27xf32> to vector<1x1x27x27xf32>
    tpu.vector_store %arg21[%swap3A_82, %swap3A_83, %swap3A_84, %swap3A_85], %swap3A_88 {strides = array<i32>} : memref<1x8x27x27xf32, #tpu.memory_space<vmem>>, vector<1x1x27x27xf32>,
    %get3A_89 = arith.constant 0 : index
    %get3A_90 = arith.constant 1 : index
    %get3A_91 = arith.constant 0 : index
    %get3A_92 = vector.load %arg8[%get3A_89, %get3A_90, %get3A_91] : memref<1x3x27xf32, #tpu.memory_space<vmem>>, vector<1x1x27xf32>
    %get3A_93 = vector.shape_cast %get3A_92 : vector<1x1x27xf32> to vector<1x27xf32>
    %mul3A_94 = vector.broadcast %get3A_93 : vector<1x27xf32> to vector<27x27xf32>
    %mul3A_95 = arith.mulf %mul3A_94, %get3A_44 : vector<27x27xf32>
    %swap3A_96 = arith.constant 0 : index
    %swap3A_97 = arith.constant 1 : index
    %swap3A_98 = arith.constant 0 : index
    %swap3A_99 = arith.constant 0 : index
    %swap3A_100 = vector.load %arg21[%swap3A_96, %swap3A_97, %swap3A_98, %swap3A_99] : memref<1x8x27x27xf32, #tpu.memory_space<vmem>>, vector<1x1x27x27xf32>
    %swap3A_101 = vector.shape_cast %swap3A_100 : vector<1x1x27x27xf32> to vector<27x27xf32>
    %swap3A_102 = vector.shape_cast %mul3A_95 : vector<27x27xf32> to vector<1x1x27x27xf32>
    tpu.vector_store %arg21[%swap3A_96, %swap3A_97, %swap3A_98, %swap3A_99], %swap3A_102 {strides = array<i32>} : memref<1x8x27x27xf32, #tpu.memory_space<vmem>>, vector<1x1x27x27xf32>,
    %get3A_103 = arith.constant 0 : index
    %get3A_104 = arith.constant 2 : index
    %get3A_105 = arith.constant 0 : index
    %get3A_106 = vector.load %arg8[%get3A_103, %get3A_104, %get3A_105] : memref<1x3x27xf32, #tpu.memory_space<vmem>>, vector<1x1x27xf32>
    %get3A_107 = vector.shape_cast %get3A_106 : vector<1x1x27xf32> to vector<1x27xf32>
    %mul3A_108 = vector.broadcast %get3A_107 : vector<1x27xf32> to vector<27x27xf32>
    %mul3A_109 = arith.mulf %mul3A_108, %get3A_44 : vector<27x27xf32>
    %swap3A_110 = arith.constant 0 : index
    %swap3A_111 = arith.constant 2 : index
    %swap3A_112 = arith.constant 0 : index
    %swap3A_113 = arith.constant 0 : index
    %swap3A_114 = vector.load %arg21[%swap3A_110, %swap3A_111, %swap3A_112, %swap3A_113] : memref<1x8x27x27xf32, #tpu.memory_space<vmem>>, vector<1x1x27x27xf32>
    %swap3A_115 = vector.shape_cast %swap3A_114 : vector<1x1x27x27xf32> to vector<27x27xf32>
    %swap3A_116 = vector.shape_cast %mul3A_109 : vector<27x27xf32> to vector<1x1x27x27xf32>
    tpu.vector_store %arg21[%swap3A_110, %swap3A_111, %swap3A_112, %swap3A_113], %swap3A_116 {strides = array<i32>} : memref<1x8x27x27xf32, #tpu.memory_space<vmem>>, vector<1x1x27x27xf32>,
    %mul3A_117 = arith.mulf %sub3A_51, %get3A_44 : vector<27x27xf32>
    %swap3A_118 = arith.constant 0 : index
    %swap3A_119 = arith.constant 3 : index
    %swap3A_120 = arith.constant 0 : index
    %swap3A_121 = arith.constant 0 : index
    %swap3A_122 = vector.load %arg21[%swap3A_118, %swap3A_119, %swap3A_120, %swap3A_121] : memref<1x8x27x27xf32, #tpu.memory_space<vmem>>, vector<1x1x27x27xf32>
    %swap3A_123 = vector.shape_cast %swap3A_122 : vector<1x1x27x27xf32> to vector<27x27xf32>
    %swap3A_124 = vector.shape_cast %mul3A_117 : vector<27x27xf32> to vector<1x1x27x27xf32>
    tpu.vector_store %arg21[%swap3A_118, %swap3A_119, %swap3A_120, %swap3A_121], %swap3A_124 {strides = array<i32>} : memref<1x8x27x27xf32, #tpu.memory_space<vmem>>, vector<1x1x27x27xf32>,
    %mul3A_125 = arith.mulf %sub3A_59, %get3A_44 : vector<27x27xf32>
    %swap3A_126 = arith.constant 0 : index
    %swap3A_127 = arith.constant 4 : index
    %swap3A_128 = arith.constant 0 : index
    %swap3A_129 = arith.constant 0 : index
    %swap3A_130 = vector.load %arg21[%swap3A_126, %swap3A_127, %swap3A_128, %swap3A_129] : memref<1x8x27x27xf32, #tpu.memory_space<vmem>>, vector<1x1x27x27xf32>
    %swap3A_131 = vector.shape_cast %swap3A_130 : vector<1x1x27x27xf32> to vector<27x27xf32>
    %swap3A_132 = vector.shape_cast %mul3A_125 : vector<27x27xf32> to vector<1x1x27x27xf32>
    tpu.vector_store %arg21[%swap3A_126, %swap3A_127, %swap3A_128, %swap3A_129], %swap3A_132 {strides = array<i32>} : memref<1x8x27x27xf32, #tpu.memory_space<vmem>>, vector<1x1x27x27xf32>,
    %mul3A_133 = arith.mulf %mul3A, %get3A_44 : vector<27x27xf32>
    %swap3A_134 = arith.constant 0 : index
    %swap3A_135 = arith.constant 5 : index
    %swap3A_136 = arith.constant 0 : index
    %swap3A_137 = arith.constant 0 : index
    %swap3A_138 = vector.load %arg21[%swap3A_134, %swap3A_135, %swap3A_136, %swap3A_137] : memref<1x8x27x27xf32, #tpu.memory_space<vmem>>, vector<1x1x27x27xf32>
    %swap3A_139 = vector.shape_cast %swap3A_138 : vector<1x1x27x27xf32> to vector<27x27xf32>
    %swap3A_140 = vector.shape_cast %mul3A_133 : vector<27x27xf32> to vector<1x1x27x27xf32>
    tpu.vector_store %arg21[%swap3A_134, %swap3A_135, %swap3A_136, %swap3A_137], %swap3A_140 {strides = array<i32>} : memref<1x8x27x27xf32, #tpu.memory_space<vmem>>, vector<1x1x27x27xf32>,
    %mul3A_141 = arith.mulf %mul3A_60, %get3A_44 : vector<27x27xf32>
    %swap3A_142 = arith.constant 0 : index
    %swap3A_143 = arith.constant 6 : index
    %swap3A_144 = arith.constant 0 : index
    %swap3A_145 = arith.constant 0 : index
    %swap3A_146 = vector.load %arg21[%swap3A_142, %swap3A_143, %swap3A_144, %swap3A_145] : memref<1x8x27x27xf32, #tpu.memory_space<vmem>>, vector<1x1x27x27xf32>
    %swap3A_147 = vector.shape_cast %swap3A_146 : vector<1x1x27x27xf32> to vector<27x27xf32>
    %swap3A_148 = vector.shape_cast %mul3A_141 : vector<27x27xf32> to vector<1x1x27x27xf32>
    tpu.vector_store %arg21[%swap3A_142, %swap3A_143, %swap3A_144, %swap3A_145], %swap3A_148 {strides = array<i32>} : memref<1x8x27x27xf32, #tpu.memory_space<vmem>>, vector<1x1x27x27xf32>,
    %get3A_149 = arith.constant 0 : index
    %get3A_150 = arith.constant 0 : index
    %get3A_151 = arith.constant 0 : index
    %get3A_152 = vector.load %arg12[%get3A_149, %get3A_150, %get3A_151] : memref<1x27x27xf32, #tpu.memory_space<vmem>>, vector<1x27x27xf32>
    %get3A_153 = vector.shape_cast %get3A_152 : vector<1x27x27xf32> to vector<27x27xf32>
    %mul3A_154 = arith.mulf %get3A_153, %get3A_44 : vector<27x27xf32>
    %swap3A_155 = arith.constant 0 : index
    %swap3A_156 = arith.constant 7 : index
    %swap3A_157 = arith.constant 0 : index
    %swap3A_158 = arith.constant 0 : index
    %swap3A_159 = vector.load %arg21[%swap3A_155, %swap3A_156, %swap3A_157, %swap3A_158] : memref<1x8x27x27xf32, #tpu.memory_space<vmem>>, vector<1x1x27x27xf32>
    %swap3A_160 = vector.shape_cast %swap3A_159 : vector<1x1x27x27xf32> to vector<27x27xf32>
    %swap3A_161 = vector.shape_cast %mul3A_154 : vector<27x27xf32> to vector<1x1x27x27xf32>
    tpu.vector_store %arg21[%swap3A_155, %swap3A_156, %swap3A_157, %swap3A_158], %swap3A_161 {strides = array<i32>} : memref<1x8x27x27xf32, #tpu.memory_space<vmem>>, vector<1x1x27x27xf32>,
    %get3A_162 = arith.constant 0 : index
    %get3A_163 = arith.constant 0 : index
    %get3A_164 = arith.constant 0 : index
    %get3A_165 = arith.constant 0 : index
    %get3A_166 = vector.load %arg21[%get3A_162, %get3A_163, %get3A_164, %get3A_165] : memref<1x8x27x27xf32, #tpu.memory_space<vmem>>, vector<1x8x1x27xf32>
    %get3A_167 = vector.shape_cast %get3A_166 : vector<1x8x1x27xf32> to vector<8x27xf32>
    %get3A_168 = arith.constant 0 : index
    %get3A_169 = arith.constant 0 : index
    %get3A_170 = vector.load %arg15[%get3A_168, %get3A_169] : memref<8x32xf32, #tpu.memory_space<vmem>>, vector<8x32xf32>
    %dot_general3A_171 = arith.constant dense<0.000000e+00> : vector<27x32xf32>
    %dot_general3A_172 = tpu.matmul %get3A_167, %get3A_170, %dot_general3A_171 {dimension_numbers = #tpu.dot_dimension_numbers<[0], [0], [1], [1], [0, 1, 1, 1], [], []>, transpose_lhs_hint = false} : vector<8x27xf32>, vector<8x32xf32>, vector<27x32xf32> -> vector<27x32xf32>
    %swap3A_173 = arith.constant 0 : index
    %swap3A_174 = arith.constant 0 : index
    %swap3A_175 = arith.constant 0 : index
    %swap3A_176 = arith.constant 0 : index
    %swap3A_177 = vector.load %arg20[%swap3A_173, %swap3A_174, %swap3A_175, %swap3A_176] : memref<1x27x27x32xf32, #tpu.memory_space<vmem>>, vector<1x1x27x32xf32>
    %swap3A_178 = vector.shape_cast %swap3A_177 : vector<1x1x27x32xf32> to vector<27x32xf32>
    %swap3A_179 = vector.shape_cast %dot_general3A_172 : vector<27x32xf32> to vector<1x1x27x32xf32>
    tpu.vector_store %arg20[%swap3A_173, %swap3A_174, %swap3A_175, %swap3A_176], %swap3A_179 {strides = array<i32>} : memref<1x27x27x32xf32, #tpu.memory_space<vmem>>, vector<1x1x27x32xf32>,
    %get3A_180 = arith.constant 0 : index
    %get3A_181 = arith.constant 0 : index
    %get3A_182 = arith.constant 1 : index
    %get3A_183 = arith.constant 0 : index
    %get3A_184 = vector.load %arg21[%get3A_180, %get3A_181, %get3A_182, %get3A_183] : memref<1x8x27x27xf32, #tpu.memory_space<vmem>>, vector<1x8x1x27xf32>
    %get3A_185 = vector.shape_cast %get3A_184 : vector<1x8x1x27xf32> to vector<8x27xf32>
    %get3A_186 = arith.constant 0 : index
    %get3A_187 = arith.constant 0 : index
    %get3A_188 = vector.load %arg15[%get3A_186, %get3A_187] : memref<8x32xf32, #tpu.memory_space<vmem>>, vector<8x32xf32>
    %dot_general3A_189 = arith.constant dense<0.000000e+00> : vector<27x32xf32>
    %dot_general3A_190 = tpu.matmul %get3A_185, %get3A_188, %dot_general3A_189 {dimension_numbers = #tpu.dot_dimension_numbers<[0], [0], [1], [1], [0, 1, 1, 1], [], []>, transpose_lhs_hint = false} : vector<8x27xf32>, vector<8x32xf32>, vector<27x32xf32> -> vector<27x32xf32>
    %swap3A_191 = arith.constant 0 : index
    %swap3A_192 = arith.constant 1 : index
    %swap3A_193 = arith.constant 0 : index
    %swap3A_194 = arith.constant 0 : index
    %swap3A_195 = vector.load %arg20[%swap3A_191, %swap3A_192, %swap3A_193, %swap3A_194] : memref<1x27x27x32xf32, #tpu.memory_space<vmem>>, vector<1x1x27x32xf32>
    %swap3A_196 = vector.shape_cast %swap3A_195 : vector<1x1x27x32xf32> to vector<27x32xf32>
    %swap3A_197 = vector.shape_cast %dot_general3A_190 : vector<27x32xf32> to vector<1x1x27x32xf32>
    tpu.vector_store %arg20[%swap3A_191, %swap3A_192, %swap3A_193, %swap3A_194], %swap3A_197 {strides = array<i32>} : memref<1x27x27x32xf32, #tpu.memory_space<vmem>>, vector<1x1x27x32xf32>,
    %get3A_198 = arith.constant 0 : index
    %get3A_199 = arith.constant 0 : index
    %get3A_200 = arith.constant 2 : index
    %get3A_201 = arith.constant 0 : index
    %get3A_202 = vector.load %arg21[%get3A_198, %get3A_199, %get3A_200, %get3A_201] : memref<1x8x27x27xf32, #tpu.memory_space<vmem>>, vector<1x8x1x27xf32>
    %get3A_203 = vector.shape_cast %get3A_202 : vector<1x8x1x27xf32> to vector<8x27xf32>
    %get3A_204 = arith.constant 0 : index
    %get3A_205 = arith.constant 0 : index
    %get3A_206 = vector.load %arg15[%get3A_204, %get3A_205] : memref<8x32xf32, #tpu.memory_space<vmem>>, vector<8x32xf32>
    %dot_general3A_207 = arith.constant dense<0.000000e+00> : vector<27x32xf32>
    %dot_general3A_208 = tpu.matmul %get3A_203, %get3A_206, %dot_general3A_207 {dimension_numbers = #tpu.dot_dimension_numbers<[0], [0], [1], [1], [0, 1, 1, 1], [], []>, transpose_lhs_hint = false} : vector<8x27xf32>, vector<8x32xf32>, vector<27x32xf32> -> vector<27x32xf32>
    %swap3A_209 = arith.constant 0 : index
    %swap3A_210 = arith.constant 2 : index
    %swap3A_211 = arith.constant 0 : index
    %swap3A_212 = arith.constant 0 : index
    %swap3A_213 = vector.load %arg20[%swap3A_209, %swap3A_210, %swap3A_211, %swap3A_212] : memref<1x27x27x32xf32, #tpu.memory_space<vmem>>, vector<1x1x27x32xf32>
    %swap3A_214 = vector.shape_cast %swap3A_213 : vector<1x1x27x32xf32> to vector<27x32xf32>
    %swap3A_215 = vector.shape_cast %dot_general3A_208 : vector<27x32xf32> to vector<1x1x27x32xf32>
    tpu.vector_store %arg20[%swap3A_209, %swap3A_210, %swap3A_211, %swap3A_212], %swap3A_215 {strides = array<i32>} : memref<1x27x27x32xf32, #tpu.memory_space<vmem>>, vector<1x1x27x32xf32>,
    %get3A_216 = arith.constant 0 : index
    %get3A_217 = arith.constant 0 : index
    %get3A_218 = arith.constant 3 : index
    %get3A_219 = arith.constant 0 : index
    %get3A_220 = vector.load %arg21[%get3A_216, %get3A_217, %get3A_218, %get3A_219] : memref<1x8x27x27xf32, #tpu.memory_space<vmem>>, vector<1x8x1x27xf32>
    %get3A_221 = vector.shape_cast %get3A_220 : vector<1x8x1x27xf32> to vector<8x27xf32>
    %get3A_222 = arith.constant 0 : index
    %get3A_223 = arith.constant 0 : index
    %get3A_224 = vector.load %arg15[%get3A_222, %get3A_223] : memref<8x32xf32, #tpu.memory_space<vmem>>, vector<8x32xf32>
    %dot_general3A_225 = arith.constant dense<0.000000e+00> : vector<27x32xf32>
    %dot_general3A_226 = tpu.matmul %get3A_221, %get3A_224, %dot_general3A_225 {dimension_numbers = #tpu.dot_dimension_numbers<[0], [0], [1], [1], [0, 1, 1, 1], [], []>, transpose_lhs_hint = false} : vector<8x27xf32>, vector<8x32xf32>, vector<27x32xf32> -> vector<27x32xf32>
    %swap3A_227 = arith.constant 0 : index
    %swap3A_228 = arith.constant 3 : index
    %swap3A_229 = arith.constant 0 : index
    %swap3A_230 = arith.constant 0 : index
    %swap3A_231 = vector.load %arg20[%swap3A_227, %swap3A_228, %swap3A_229, %swap3A_230] : memref<1x27x27x32xf32, #tpu.memory_space<vmem>>, vector<1x1x27x32xf32>
    %swap3A_232 = vector.shape_cast %swap3A_231 : vector<1x1x27x32xf32> to vector<27x32xf32>
    %swap3A_233 = vector.shape_cast %dot_general3A_226 : vector<27x32xf32> to vector<1x1x27x32xf32>
    tpu.vector_store %arg20[%swap3A_227, %swap3A_228, %swap3A_229, %swap3A_230], %swap3A_233 {strides = array<i32>} : memref<1x27x27x32xf32, #tpu.memory_space<vmem>>, vector<1x1x27x32xf32>,
    %get3A_234 = arith.constant 0 : index
    %get3A_235 = arith.constant 0 : index
    %get3A_236 = arith.constant 4 : index
    %get3A_237 = arith.constant 0 : index
    %get3A_238 = vector.load %arg21[%get3A_234, %get3A_235, %get3A_236, %get3A_237] : memref<1x8x27x27xf32, #tpu.memory_space<vmem>>, vector<1x8x1x27xf32>
    %get3A_239 = vector.shape_cast %get3A_238 : vector<1x8x1x27xf32> to vector<8x27xf32>
    %get3A_240 = arith.constant 0 : index
    %get3A_241 = arith.constant 0 : index
    %get3A_242 = vector.load %arg15[%get3A_240, %get3A_241] : memref<8x32xf32, #tpu.memory_space<vmem>>, vector<8x32xf32>
    %dot_general3A_243 = arith.constant dense<0.000000e+00> : vector<27x32xf32>
    %dot_general3A_244 = tpu.matmul %get3A_239, %get3A_242, %dot_general3A_243 {dimension_numbers = #tpu.dot_dimension_numbers<[0], [0], [1], [1], [0, 1, 1, 1], [], []>, transpose_lhs_hint = false} : vector<8x27xf32>, vector<8x32xf32>, vector<27x32xf32> -> vector<27x32xf32>
    %swap3A_245 = arith.constant 0 : index
    %swap3A_246 = arith.constant 4 : index
    %swap3A_247 = arith.constant 0 : index
    %swap3A_248 = arith.constant 0 : index
    %swap3A_249 = vector.load %arg20[%swap3A_245, %swap3A_246, %swap3A_247, %swap3A_248] : memref<1x27x27x32xf32, #tpu.memory_space<vmem>>, vector<1x1x27x32xf32>
    %swap3A_250 = vector.shape_cast %swap3A_249 : vector<1x1x27x32xf32> to vector<27x32xf32>
    %swap3A_251 = vector.shape_cast %dot_general3A_244 : vector<27x32xf32> to vector<1x1x27x32xf32>
    tpu.vector_store %arg20[%swap3A_245, %swap3A_246, %swap3A_247, %swap3A_248], %swap3A_251 {strides = array<i32>} : memref<1x27x27x32xf32, #tpu.memory_space<vmem>>, vector<1x1x27x32xf32>,
    %get3A_252 = arith.constant 0 : index
    %get3A_253 = arith.constant 0 : index
    %get3A_254 = arith.constant 5 : index
    %get3A_255 = arith.constant 0 : index
    %get3A_256 = vector.load %arg21[%get3A_252, %get3A_253, %get3A_254, %get3A_255] : memref<1x8x27x27xf32, #tpu.memory_space<vmem>>, vector<1x8x1x27xf32>
    %get3A_257 = vector.shape_cast %get3A_256 : vector<1x8x1x27xf32> to vector<8x27xf32>
    %get3A_258 = arith.constant 0 : index
    %get3A_259 = arith.constant 0 : index
    %get3A_260 = vector.load %arg15[%get3A_258, %get3A_259] : memref<8x32xf32, #tpu.memory_space<vmem>>, vector<8x32xf32>
    %dot_general3A_261 = arith.constant dense<0.000000e+00> : vector<27x32xf32>
    %dot_general3A_262 = tpu.matmul %get3A_257, %get3A_260, %dot_general3A_261 {dimension_numbers = #tpu.dot_dimension_numbers<[0], [0], [1], [1], [0, 1, 1, 1], [], []>, transpose_lhs_hint = false} : vector<8x27xf32>, vector<8x32xf32>, vector<27x32xf32> -> vector<27x32xf32>
    %swap3A_263 = arith.constant 0 : index
    %swap3A_264 = arith.constant 5 : index
    %swap3A_265 = arith.constant 0 : index
    %swap3A_266 = arith.constant 0 : index
    %swap3A_267 = vector.load %arg20[%swap3A_263, %swap3A_264, %swap3A_265, %swap3A_266] : memref<1x27x27x32xf32, #tpu.memory_space<vmem>>, vector<1x1x27x32xf32>
    %swap3A_268 = vector.shape_cast %swap3A_267 : vector<1x1x27x32xf32> to vector<27x32xf32>
    %swap3A_269 = vector.shape_cast %dot_general3A_262 : vector<27x32xf32> to vector<1x1x27x32xf32>
    tpu.vector_store %arg20[%swap3A_263, %swap3A_264, %swap3A_265, %swap3A_266], %swap3A_269 {strides = array<i32>} : memref<1x27x27x32xf32, #tpu.memory_space<vmem>>, vector<1x1x27x32xf32>,
    %get3A_270 = arith.constant 0 : index
    %get3A_271 = arith.constant 0 : index
    %get3A_272 = arith.constant 6 : index
    %get3A_273 = arith.constant 0 : index
    %get3A_274 = vector.load %arg21[%get3A_270, %get3A_271, %get3A_272, %get3A_273] : memref<1x8x27x27xf32, #tpu.memory_space<vmem>>, vector<1x8x1x27xf32>
    %get3A_275 = vector.shape_cast %get3A_274 : vector<1x8x1x27xf32> to vector<8x27xf32>
    %get3A_276 = arith.constant 0 : index
    %get3A_277 = arith.constant 0 : index
    %get3A_278 = vector.load %arg15[%get3A_276, %get3A_277] : memref<8x32xf32, #tpu.memory_space<vmem>>, vector<8x32xf32>
    %dot_general3A_279 = arith.constant dense<0.000000e+00> : vector<27x32xf32>
    %dot_general3A_280 = tpu.matmul %get3A_275, %get3A_278, %dot_general3A_279 {dimension_numbers = #tpu.dot_dimension_numbers<[0], [0], [1], [1], [0, 1, 1, 1], [], []>, transpose_lhs_hint = false} : vector<8x27xf32>, vector<8x32xf32>, vector<27x32xf32> -> vector<27x32xf32>
    %swap3A_281 = arith.constant 0 : index
    %swap3A_282 = arith.constant 6 : index
    %swap3A_283 = arith.constant 0 : index
    %swap3A_284 = arith.constant 0 : index
    %swap3A_285 = vector.load %arg20[%swap3A_281, %swap3A_282, %swap3A_283, %swap3A_284] : memref<1x27x27x32xf32, #tpu.memory_space<vmem>>, vector<1x1x27x32xf32>
    %swap3A_286 = vector.shape_cast %swap3A_285 : vector<1x1x27x32xf32> to vector<27x32xf32>
    %swap3A_287 = vector.shape_cast %dot_general3A_280 : vector<27x32xf32> to vector<1x1x27x32xf32>
    tpu.vector_store %arg20[%swap3A_281, %swap3A_282, %swap3A_283, %swap3A_284], %swap3A_287 {strides = array<i32>} : memref<1x27x27x32xf32, #tpu.memory_space<vmem>>, vector<1x1x27x32xf32>,
    %get3A_288 = arith.constant 0 : index
    %get3A_289 = arith.constant 0 : index
    %get3A_290 = arith.constant 7 : index
    %get3A_291 = arith.constant 0 : index
    %get3A_292 = vector.load %arg21[%get3A_288, %get3A_289, %get3A_290, %get3A_291] : memref<1x8x27x27xf32, #tpu.memory_space<vmem>>, vector<1x8x1x27xf32>
    %get3A_293 = vector.shape_cast %get3A_292 : vector<1x8x1x27xf32> to vector<8x27xf32>
    %get3A_294 = arith.constant 0 : index
    %get3A_295 = arith.constant 0 : index
    %get3A_296 = vector.load %arg15[%get3A_294, %get3A_295] : memref<8x32xf32, #tpu.memory_space<vmem>>, vector<8x32xf32>
    %dot_general3A_297 = arith.constant dense<0.000000e+00> : vector<27x32xf32>
    %dot_general3A_298 = tpu.matmul %get3A_293, %get3A_296, %dot_general3A_297 {dimension_numbers = #tpu.dot_dimension_numbers<[0], [0], [1], [1], [0, 1, 1, 1], [], []>, transpose_lhs_hint = false} : vector<8x27xf32>, vector<8x32xf32>, vector<27x32xf32> -> vector<27x32xf32>
    %swap3A_299 = arith.constant 0 : index
    %swap3A_300 = arith.constant 7 : index
    %swap3A_301 = arith.constant 0 : index
    %swap3A_302 = arith.constant 0 : index
    %swap3A_303 = vector.load %arg20[%swap3A_299, %swap3A_300, %swap3A_301, %swap3A_302] : memref<1x27x27x32xf32, #tpu.memory_space<vmem>>, vector<1x1x27x32xf32>
    %swap3A_304 = vector.shape_cast %swap3A_303 : vector<1x1x27x32xf32> to vector<27x32xf32>
    %swap3A_305 = vector.shape_cast %dot_general3A_298 : vector<27x32xf32> to vector<1x1x27x32xf32>
    tpu.vector_store %arg20[%swap3A_299, %swap3A_300, %swap3A_301, %swap3A_302], %swap3A_305 {strides = array<i32>} : memref<1x27x27x32xf32, #tpu.memory_space<vmem>>, vector<1x1x27x32xf32>,
    %get3A_306 = arith.constant 0 : index
    %get3A_307 = arith.constant 0 : index
    %get3A_308 = arith.constant 8 : index
    %get3A_309 = arith.constant 0 : index
    %get3A_310 = vector.load %arg21[%get3A_306, %get3A_307, %get3A_308, %get3A_309] : memref<1x8x27x27xf32, #tpu.memory_space<vmem>>, vector<1x8x1x27xf32>
    %get3A_311 = vector.shape_cast %get3A_310 : vector<1x8x1x27xf32> to vector<8x27xf32>
    %get3A_312 = arith.constant 0 : index
    %get3A_313 = arith.constant 0 : index
    %get3A_314 = vector.load %arg15[%get3A_312, %get3A_313] : memref<8x32xf32, #tpu.memory_space<vmem>>, vector<8x32xf32>
    %dot_general3A_315 = arith.constant dense<0.000000e+00> : vector<27x32xf32>
    %dot_general3A_316 = tpu.matmul %get3A_311, %get3A_314, %dot_general3A_315 {dimension_numbers = #tpu.dot_dimension_numbers<[0], [0], [1], [1], [0, 1, 1, 1], [], []>, transpose_lhs_hint = false} : vector<8x27xf32>, vector<8x32xf32>, vector<27x32xf32> -> vector<27x32xf32>
    %swap3A_317 = arith.constant 0 : index
    %swap3A_318 = arith.constant 8 : index
    %swap3A_319 = arith.constant 0 : index
    %swap3A_320 = arith.constant 0 : index
    %swap3A_321 = vector.load %arg20[%swap3A_317, %swap3A_318, %swap3A_319, %swap3A_320] : memref<1x27x27x32xf32, #tpu.memory_space<vmem>>, vector<1x1x27x32xf32>
    %swap3A_322 = vector.shape_cast %swap3A_321 : vector<1x1x27x32xf32> to vector<27x32xf32>
    %swap3A_323 = vector.shape_cast %dot_general3A_316 : vector<27x32xf32> to vector<1x1x27x32xf32>
    tpu.vector_store %arg20[%swap3A_317, %swap3A_318, %swap3A_319, %swap3A_320], %swap3A_323 {strides = array<i32>} : memref<1x27x27x32xf32, #tpu.memory_space<vmem>>, vector<1x1x27x32xf32>,
    %get3A_324 = arith.constant 0 : index
    %get3A_325 = arith.constant 0 : index
    %get3A_326 = arith.constant 9 : index
    %get3A_327 = arith.constant 0 : index
    %get3A_328 = vector.load %arg21[%get3A_324, %get3A_325, %get3A_326, %get3A_327] : memref<1x8x27x27xf32, #tpu.memory_space<vmem>>, vector<1x8x1x27xf32>
    %get3A_329 = vector.shape_cast %get3A_328 : vector<1x8x1x27xf32> to vector<8x27xf32>
    %get3A_330 = arith.constant 0 : index
    %get3A_331 = arith.constant 0 : index
    %get3A_332 = vector.load %arg15[%get3A_330, %get3A_331] : memref<8x32xf32, #tpu.memory_space<vmem>>, vector<8x32xf32>
    %dot_general3A_333 = arith.constant dense<0.000000e+00> : vector<27x32xf32>
    %dot_general3A_334 = tpu.matmul %get3A_329, %get3A_332, %dot_general3A_333 {dimension_numbers = #tpu.dot_dimension_numbers<[0], [0], [1], [1], [0, 1, 1, 1], [], []>, transpose_lhs_hint = false} : vector<8x27xf32>, vector<8x32xf32>, vector<27x32xf32> -> vector<27x32xf32>
    %swap3A_335 = arith.constant 0 : index
    %swap3A_336 = arith.constant 9 : index
    %swap3A_337 = arith.constant 0 : index
    %swap3A_338 = arith.constant 0 : index
    %swap3A_339 = vector.load %arg20[%swap3A_335, %swap3A_336, %swap3A_337, %swap3A_338] : memref<1x27x27x32xf32, #tpu.memory_space<vmem>>, vector<1x1x27x32xf32>
    %swap3A_340 = vector.shape_cast %swap3A_339 : vector<1x1x27x32xf32> to vector<27x32xf32>
    %swap3A_341 = vector.shape_cast %dot_general3A_334 : vector<27x32xf32> to vector<1x1x27x32xf32>
    tpu.vector_store %arg20[%swap3A_335, %swap3A_336, %swap3A_337, %swap3A_338], %swap3A_341 {strides = array<i32>} : memref<1x27x27x32xf32, #tpu.memory_space<vmem>>, vector<1x1x27x32xf32>,
    %get3A_342 = arith.constant 0 : index
    %get3A_343 = arith.constant 0 : index
    %get3A_344 = arith.constant 10 : index
    %get3A_345 = arith.constant 0 : index
    %get3A_346 = vector.load %arg21[%get3A_342, %get3A_343, %get3A_344, %get3A_345] : memref<1x8x27x27xf32, #tpu.memory_space<vmem>>, vector<1x8x1x27xf32>
    %get3A_347 = vector.shape_cast %get3A_346 : vector<1x8x1x27xf32> to vector<8x27xf32>
    %get3A_348 = arith.constant 0 : index
    %get3A_349 = arith.constant 0 : index
    %get3A_350 = vector.load %arg15[%get3A_348, %get3A_349] : memref<8x32xf32, #tpu.memory_space<vmem>>, vector<8x32xf32>
    %dot_general3A_351 = arith.constant dense<0.000000e+00> : vector<27x32xf32>
    %dot_general3A_352 = tpu.matmul %get3A_347, %get3A_350, %dot_general3A_351 {dimension_numbers = #tpu.dot_dimension_numbers<[0], [0], [1], [1], [0, 1, 1, 1], [], []>, transpose_lhs_hint = false} : vector<8x27xf32>, vector<8x32xf32>, vector<27x32xf32> -> vector<27x32xf32>
    %swap3A_353 = arith.constant 0 : index
    %swap3A_354 = arith.constant 10 : index
    %swap3A_355 = arith.constant 0 : index
    %swap3A_356 = arith.constant 0 : index
    %swap3A_357 = vector.load %arg20[%swap3A_353, %swap3A_354, %swap3A_355, %swap3A_356] : memref<1x27x27x32xf32, #tpu.memory_space<vmem>>, vector<1x1x27x32xf32>
    %swap3A_358 = vector.shape_cast %swap3A_357 : vector<1x1x27x32xf32> to vector<27x32xf32>
    %swap3A_359 = vector.shape_cast %dot_general3A_352 : vector<27x32xf32> to vector<1x1x27x32xf32>
    tpu.vector_store %arg20[%swap3A_353, %swap3A_354, %swap3A_355, %swap3A_356], %swap3A_359 {strides = array<i32>} : memref<1x27x27x32xf32, #tpu.memory_space<vmem>>, vector<1x1x27x32xf32>,
    %get3A_360 = arith.constant 0 : index
    %get3A_361 = arith.constant 0 : index
    %get3A_362 = arith.constant 11 : index
    %get3A_363 = arith.constant 0 : index
    %get3A_364 = vector.load %arg21[%get3A_360, %get3A_361, %get3A_362, %get3A_363] : memref<1x8x27x27xf32, #tpu.memory_space<vmem>>, vector<1x8x1x27xf32>
    %get3A_365 = vector.shape_cast %get3A_364 : vector<1x8x1x27xf32> to vector<8x27xf32>
    %get3A_366 = arith.constant 0 : index
    %get3A_367 = arith.constant 0 : index
    %get3A_368 = vector.load %arg15[%get3A_366, %get3A_367] : memref<8x32xf32, #tpu.memory_space<vmem>>, vector<8x32xf32>
    %dot_general3A_369 = arith.constant dense<0.000000e+00> : vector<27x32xf32>
    %dot_general3A_370 = tpu.matmul %get3A_365, %get3A_368, %dot_general3A_369 {dimension_numbers = #tpu.dot_dimension_numbers<[0], [0], [1], [1], [0, 1, 1, 1], [], []>, transpose_lhs_hint = false} : vector<8x27xf32>, vector<8x32xf32>, vector<27x32xf32> -> vector<27x32xf32>
    %swap3A_371 = arith.constant 0 : index
    %swap3A_372 = arith.constant 11 : index
    %swap3A_373 = arith.constant 0 : index
    %swap3A_374 = arith.constant 0 : index
    %swap3A_375 = vector.load %arg20[%swap3A_371, %swap3A_372, %swap3A_373, %swap3A_374] : memref<1x27x27x32xf32, #tpu.memory_space<vmem>>, vector<1x1x27x32xf32>
    %swap3A_376 = vector.shape_cast %swap3A_375 : vector<1x1x27x32xf32> to vector<27x32xf32>
    %swap3A_377 = vector.shape_cast %dot_general3A_370 : vector<27x32xf32> to vector<1x1x27x32xf32>
    tpu.vector_store %arg20[%swap3A_371, %swap3A_372, %swap3A_373, %swap3A_374], %swap3A_377 {strides = array<i32>} : memref<1x27x27x32xf32, #tpu.memory_space<vmem>>, vector<1x1x27x32xf32>,
    %get3A_378 = arith.constant 0 : index
    %get3A_379 = arith.constant 0 : index
    %get3A_380 = arith.constant 12 : index
    %get3A_381 = arith.constant 0 : index
    %get3A_382 = vector.load %arg21[%get3A_378, %get3A_379, %get3A_380, %get3A_381] : memref<1x8x27x27xf32, #tpu.memory_space<vmem>>, vector<1x8x1x27xf32>
    %get3A_383 = vector.shape_cast %get3A_382 : vector<1x8x1x27xf32> to vector<8x27xf32>
    %get3A_384 = arith.constant 0 : index
    %get3A_385 = arith.constant 0 : index
    %get3A_386 = vector.load %arg15[%get3A_384, %get3A_385] : memref<8x32xf32, #tpu.memory_space<vmem>>, vector<8x32xf32>
    %dot_general3A_387 = arith.constant dense<0.000000e+00> : vector<27x32xf32>
    %dot_general3A_388 = tpu.matmul %get3A_383, %get3A_386, %dot_general3A_387 {dimension_numbers = #tpu.dot_dimension_numbers<[0], [0], [1], [1], [0, 1, 1, 1], [], []>, transpose_lhs_hint = false} : vector<8x27xf32>, vector<8x32xf32>, vector<27x32xf32> -> vector<27x32xf32>
    %swap3A_389 = arith.constant 0 : index
    %swap3A_390 = arith.constant 12 : index
    %swap3A_391 = arith.constant 0 : index
    %swap3A_392 = arith.constant 0 : index
    %swap3A_393 = vector.load %arg20[%swap3A_389, %swap3A_390, %swap3A_391, %swap3A_392] : memref<1x27x27x32xf32, #tpu.memory_space<vmem>>, vector<1x1x27x32xf32>
    %swap3A_394 = vector.shape_cast %swap3A_393 : vector<1x1x27x32xf32> to vector<27x32xf32>
    %swap3A_395 = vector.shape_cast %dot_general3A_388 : vector<27x32xf32> to vector<1x1x27x32xf32>
    tpu.vector_store %arg20[%swap3A_389, %swap3A_390, %swap3A_391, %swap3A_392], %swap3A_395 {strides = array<i32>} : memref<1x27x27x32xf32, #tpu.memory_space<vmem>>, vector<1x1x27x32xf32>,
    %get3A_396 = arith.constant 0 : index
    %get3A_397 = arith.constant 0 : index
    %get3A_398 = arith.constant 13 : index
    %get3A_399 = arith.constant 0 : index
    %get3A_400 = vector.load %arg21[%get3A_396, %get3A_397, %get3A_398, %get3A_399] : memref<1x8x27x27xf32, #tpu.memory_space<vmem>>, vector<1x8x1x27xf32>
    %get3A_401 = vector.shape_cast %get3A_400 : vector<1x8x1x27xf32> to vector<8x27xf32>
    %get3A_402 = arith.constant 0 : index
    %get3A_403 = arith.constant 0 : index
    %get3A_404 = vector.load %arg15[%get3A_402, %get3A_403] : memref<8x32xf32, #tpu.memory_space<vmem>>, vector<8x32xf32>
    %dot_general3A_405 = arith.constant dense<0.000000e+00> : vector<27x32xf32>
    %dot_general3A_406 = tpu.matmul %get3A_401, %get3A_404, %dot_general3A_405 {dimension_numbers = #tpu.dot_dimension_numbers<[0], [0], [1], [1], [0, 1, 1, 1], [], []>, transpose_lhs_hint = false} : vector<8x27xf32>, vector<8x32xf32>, vector<27x32xf32> -> vector<27x32xf32>
    %swap3A_407 = arith.constant 0 : index
    %swap3A_408 = arith.constant 13 : index
    %swap3A_409 = arith.constant 0 : index
    %swap3A_410 = arith.constant 0 : index
    %swap3A_411 = vector.load %arg20[%swap3A_407, %swap3A_408, %swap3A_409, %swap3A_410] : memref<1x27x27x32xf32, #tpu.memory_space<vmem>>, vector<1x1x27x32xf32>
    %swap3A_412 = vector.shape_cast %swap3A_411 : vector<1x1x27x32xf32> to vector<27x32xf32>
    %swap3A_413 = vector.shape_cast %dot_general3A_406 : vector<27x32xf32> to vector<1x1x27x32xf32>
    tpu.vector_store %arg20[%swap3A_407, %swap3A_408, %swap3A_409, %swap3A_410], %swap3A_413 {strides = array<i32>} : memref<1x27x27x32xf32, #tpu.memory_space<vmem>>, vector<1x1x27x32xf32>,
    %get3A_414 = arith.constant 0 : index
    %get3A_415 = arith.constant 0 : index
    %get3A_416 = arith.constant 14 : index
    %get3A_417 = arith.constant 0 : index
    %get3A_418 = vector.load %arg21[%get3A_414, %get3A_415, %get3A_416, %get3A_417] : memref<1x8x27x27xf32, #tpu.memory_space<vmem>>, vector<1x8x1x27xf32>
    %get3A_419 = vector.shape_cast %get3A_418 : vector<1x8x1x27xf32> to vector<8x27xf32>
    %get3A_420 = arith.constant 0 : index
    %get3A_421 = arith.constant 0 : index
    %get3A_422 = vector.load %arg15[%get3A_420, %get3A_421] : memref<8x32xf32, #tpu.memory_space<vmem>>, vector<8x32xf32>
    %dot_general3A_423 = arith.constant dense<0.000000e+00> : vector<27x32xf32>
    %dot_general3A_424 = tpu.matmul %get3A_419, %get3A_422, %dot_general3A_423 {dimension_numbers = #tpu.dot_dimension_numbers<[0], [0], [1], [1], [0, 1, 1, 1], [], []>, transpose_lhs_hint = false} : vector<8x27xf32>, vector<8x32xf32>, vector<27x32xf32> -> vector<27x32xf32>
    %swap3A_425 = arith.constant 0 : index
    %swap3A_426 = arith.constant 14 : index
    %swap3A_427 = arith.constant 0 : index
    %swap3A_428 = arith.constant 0 : index
    %swap3A_429 = vector.load %arg20[%swap3A_425, %swap3A_426, %swap3A_427, %swap3A_428] : memref<1x27x27x32xf32, #tpu.memory_space<vmem>>, vector<1x1x27x32xf32>
    %swap3A_430 = vector.shape_cast %swap3A_429 : vector<1x1x27x32xf32> to vector<27x32xf32>
    %swap3A_431 = vector.shape_cast %dot_general3A_424 : vector<27x32xf32> to vector<1x1x27x32xf32>
    tpu.vector_store %arg20[%swap3A_425, %swap3A_426, %swap3A_427, %swap3A_428], %swap3A_431 {strides = array<i32>} : memref<1x27x27x32xf32, #tpu.memory_space<vmem>>, vector<1x1x27x32xf32>,
    %get3A_432 = arith.constant 0 : index
    %get3A_433 = arith.constant 0 : index
    %get3A_434 = arith.constant 15 : index
    %get3A_435 = arith.constant 0 : index
    %get3A_436 = vector.load %arg21[%get3A_432, %get3A_433, %get3A_434, %get3A_435] : memref<1x8x27x27xf32, #tpu.memory_space<vmem>>, vector<1x8x1x27xf32>
    %get3A_437 = vector.shape_cast %get3A_436 : vector<1x8x1x27xf32> to vector<8x27xf32>
    %get3A_438 = arith.constant 0 : index
    %get3A_439 = arith.constant 0 : index
    %get3A_440 = vector.load %arg15[%get3A_438, %get3A_439] : memref<8x32xf32, #tpu.memory_space<vmem>>, vector<8x32xf32>
    %dot_general3A_441 = arith.constant dense<0.000000e+00> : vector<27x32xf32>
    %dot_general3A_442 = tpu.matmul %get3A_437, %get3A_440, %dot_general3A_441 {dimension_numbers = #tpu.dot_dimension_numbers<[0], [0], [1], [1], [0, 1, 1, 1], [], []>, transpose_lhs_hint = false} : vector<8x27xf32>, vector<8x32xf32>, vector<27x32xf32> -> vector<27x32xf32>
    %swap3A_443 = arith.constant 0 : index
    %swap3A_444 = arith.constant 15 : index
    %swap3A_445 = arith.constant 0 : index
    %swap3A_446 = arith.constant 0 : index
    %swap3A_447 = vector.load %arg20[%swap3A_443, %swap3A_444, %swap3A_445, %swap3A_446] : memref<1x27x27x32xf32, #tpu.memory_space<vmem>>, vector<1x1x27x32xf32>
    %swap3A_448 = vector.shape_cast %swap3A_447 : vector<1x1x27x32xf32> to vector<27x32xf32>
    %swap3A_449 = vector.shape_cast %dot_general3A_442 : vector<27x32xf32> to vector<1x1x27x32xf32>
    tpu.vector_store %arg20[%swap3A_443, %swap3A_444, %swap3A_445, %swap3A_446], %swap3A_449 {strides = array<i32>} : memref<1x27x27x32xf32, #tpu.memory_space<vmem>>, vector<1x1x27x32xf32>,
    %get3A_450 = arith.constant 0 : index
    %get3A_451 = arith.constant 0 : index
    %get3A_452 = arith.constant 16 : index
    %get3A_453 = arith.constant 0 : index
    %get3A_454 = vector.load %arg21[%get3A_450, %get3A_451, %get3A_452, %get3A_453] : memref<1x8x27x27xf32, #tpu.memory_space<vmem>>, vector<1x8x1x27xf32>
    %get3A_455 = vector.shape_cast %get3A_454 : vector<1x8x1x27xf32> to vector<8x27xf32>
    %get3A_456 = arith.constant 0 : index
    %get3A_457 = arith.constant 0 : index
    %get3A_458 = vector.load %arg15[%get3A_456, %get3A_457] : memref<8x32xf32, #tpu.memory_space<vmem>>, vector<8x32xf32>
    %dot_general3A_459 = arith.constant dense<0.000000e+00> : vector<27x32xf32>
    %dot_general3A_460 = tpu.matmul %get3A_455, %get3A_458, %dot_general3A_459 {dimension_numbers = #tpu.dot_dimension_numbers<[0], [0], [1], [1], [0, 1, 1, 1], [], []>, transpose_lhs_hint = false} : vector<8x27xf32>, vector<8x32xf32>, vector<27x32xf32> -> vector<27x32xf32>
    %swap3A_461 = arith.constant 0 : index
    %swap3A_462 = arith.constant 16 : index
    %swap3A_463 = arith.constant 0 : index
    %swap3A_464 = arith.constant 0 : index
    %swap3A_465 = vector.load %arg20[%swap3A_461, %swap3A_462, %swap3A_463, %swap3A_464] : memref<1x27x27x32xf32, #tpu.memory_space<vmem>>, vector<1x1x27x32xf32>
    %swap3A_466 = vector.shape_cast %swap3A_465 : vector<1x1x27x32xf32> to vector<27x32xf32>
    %swap3A_467 = vector.shape_cast %dot_general3A_460 : vector<27x32xf32> to vector<1x1x27x32xf32>
    tpu.vector_store %arg20[%swap3A_461, %swap3A_462, %swap3A_463, %swap3A_464], %swap3A_467 {strides = array<i32>} : memref<1x27x27x32xf32, #tpu.memory_space<vmem>>, vector<1x1x27x32xf32>,
    %get3A_468 = arith.constant 0 : index
    %get3A_469 = arith.constant 0 : index
    %get3A_470 = arith.constant 17 : index
    %get3A_471 = arith.constant 0 : index
    %get3A_472 = vector.load %arg21[%get3A_468, %get3A_469, %get3A_470, %get3A_471] : memref<1x8x27x27xf32, #tpu.memory_space<vmem>>, vector<1x8x1x27xf32>
    %get3A_473 = vector.shape_cast %get3A_472 : vector<1x8x1x27xf32> to vector<8x27xf32>
    %get3A_474 = arith.constant 0 : index
    %get3A_475 = arith.constant 0 : index
    %get3A_476 = vector.load %arg15[%get3A_474, %get3A_475] : memref<8x32xf32, #tpu.memory_space<vmem>>, vector<8x32xf32>
    %dot_general3A_477 = arith.constant dense<0.000000e+00> : vector<27x32xf32>
    %dot_general3A_478 = tpu.matmul %get3A_473, %get3A_476, %dot_general3A_477 {dimension_numbers = #tpu.dot_dimension_numbers<[0], [0], [1], [1], [0, 1, 1, 1], [], []>, transpose_lhs_hint = false} : vector<8x27xf32>, vector<8x32xf32>, vector<27x32xf32> -> vector<27x32xf32>
    %swap3A_479 = arith.constant 0 : index
    %swap3A_480 = arith.constant 17 : index
    %swap3A_481 = arith.constant 0 : index
    %swap3A_482 = arith.constant 0 : index
    %swap3A_483 = vector.load %arg20[%swap3A_479, %swap3A_480, %swap3A_481, %swap3A_482] : memref<1x27x27x32xf32, #tpu.memory_space<vmem>>, vector<1x1x27x32xf32>
    %swap3A_484 = vector.shape_cast %swap3A_483 : vector<1x1x27x32xf32> to vector<27x32xf32>
    %swap3A_485 = vector.shape_cast %dot_general3A_478 : vector<27x32xf32> to vector<1x1x27x32xf32>
    tpu.vector_store %arg20[%swap3A_479, %swap3A_480, %swap3A_481, %swap3A_482], %swap3A_485 {strides = array<i32>} : memref<1x27x27x32xf32, #tpu.memory_space<vmem>>, vector<1x1x27x32xf32>,
    %get3A_486 = arith.constant 0 : index
    %get3A_487 = arith.constant 0 : index
    %get3A_488 = arith.constant 18 : index
    %get3A_489 = arith.constant 0 : index
    %get3A_490 = vector.load %arg21[%get3A_486, %get3A_487, %get3A_488, %get3A_489] : memref<1x8x27x27xf32, #tpu.memory_space<vmem>>, vector<1x8x1x27xf32>
    %get3A_491 = vector.shape_cast %get3A_490 : vector<1x8x1x27xf32> to vector<8x27xf32>
    %get3A_492 = arith.constant 0 : index
    %get3A_493 = arith.constant 0 : index
    %get3A_494 = vector.load %arg15[%get3A_492, %get3A_493] : memref<8x32xf32, #tpu.memory_space<vmem>>, vector<8x32xf32>
    %dot_general3A_495 = arith.constant dense<0.000000e+00> : vector<27x32xf32>
    %dot_general3A_496 = tpu.matmul %get3A_491, %get3A_494, %dot_general3A_495 {dimension_numbers = #tpu.dot_dimension_numbers<[0], [0], [1], [1], [0, 1, 1, 1], [], []>, transpose_lhs_hint = false} : vector<8x27xf32>, vector<8x32xf32>, vector<27x32xf32> -> vector<27x32xf32>
    %swap3A_497 = arith.constant 0 : index
    %swap3A_498 = arith.constant 18 : index
    %swap3A_499 = arith.constant 0 : index
    %swap3A_500 = arith.constant 0 : index
    %swap3A_501 = vector.load %arg20[%swap3A_497, %swap3A_498, %swap3A_499, %swap3A_500] : memref<1x27x27x32xf32, #tpu.memory_space<vmem>>, vector<1x1x27x32xf32>
    %swap3A_502 = vector.shape_cast %swap3A_501 : vector<1x1x27x32xf32> to vector<27x32xf32>
    %swap3A_503 = vector.shape_cast %dot_general3A_496 : vector<27x32xf32> to vector<1x1x27x32xf32>
    tpu.vector_store %arg20[%swap3A_497, %swap3A_498, %swap3A_499, %swap3A_500], %swap3A_503 {strides = array<i32>} : memref<1x27x27x32xf32, #tpu.memory_space<vmem>>, vector<1x1x27x32xf32>,
    %get3A_504 = arith.constant 0 : index
    %get3A_505 = arith.constant 0 : index
    %get3A_506 = arith.constant 19 : index
    %get3A_507 = arith.constant 0 : index
    %get3A_508 = vector.load %arg21[%get3A_504, %get3A_505, %get3A_506, %get3A_507] : memref<1x8x27x27xf32, #tpu.memory_space<vmem>>, vector<1x8x1x27xf32>
    %get3A_509 = vector.shape_cast %get3A_508 : vector<1x8x1x27xf32> to vector<8x27xf32>
    %get3A_510 = arith.constant 0 : index
    %get3A_511 = arith.constant 0 : index
    %get3A_512 = vector.load %arg15[%get3A_510, %get3A_511] : memref<8x32xf32, #tpu.memory_space<vmem>>, vector<8x32xf32>
    %dot_general3A_513 = arith.constant dense<0.000000e+00> : vector<27x32xf32>
    %dot_general3A_514 = tpu.matmul %get3A_509, %get3A_512, %dot_general3A_513 {dimension_numbers = #tpu.dot_dimension_numbers<[0], [0], [1], [1], [0, 1, 1, 1], [], []>, transpose_lhs_hint = false} : vector<8x27xf32>, vector<8x32xf32>, vector<27x32xf32> -> vector<27x32xf32>
    %swap3A_515 = arith.constant 0 : index
    %swap3A_516 = arith.constant 19 : index
    %swap3A_517 = arith.constant 0 : index
    %swap3A_518 = arith.constant 0 : index
    %swap3A_519 = vector.load %arg20[%swap3A_515, %swap3A_516, %swap3A_517, %swap3A_518] : memref<1x27x27x32xf32, #tpu.memory_space<vmem>>, vector<1x1x27x32xf32>
    %swap3A_520 = vector.shape_cast %swap3A_519 : vector<1x1x27x32xf32> to vector<27x32xf32>
    %swap3A_521 = vector.shape_cast %dot_general3A_514 : vector<27x32xf32> to vector<1x1x27x32xf32>
    tpu.vector_store %arg20[%swap3A_515, %swap3A_516, %swap3A_517, %swap3A_518], %swap3A_521 {strides = array<i32>} : memref<1x27x27x32xf32, #tpu.memory_space<vmem>>, vector<1x1x27x32xf32>,
    %get3A_522 = arith.constant 0 : index
    %get3A_523 = arith.constant 0 : index
    %get3A_524 = arith.constant 20 : index
    %get3A_525 = arith.constant 0 : index
    %get3A_526 = vector.load %arg21[%get3A_522, %get3A_523, %get3A_524, %get3A_525] : memref<1x8x27x27xf32, #tpu.memory_space<vmem>>, vector<1x8x1x27xf32>
    %get3A_527 = vector.shape_cast %get3A_526 : vector<1x8x1x27xf32> to vector<8x27xf32>
    %get3A_528 = arith.constant 0 : index
    %get3A_529 = arith.constant 0 : index
    %get3A_530 = vector.load %arg15[%get3A_528, %get3A_529] : memref<8x32xf32, #tpu.memory_space<vmem>>, vector<8x32xf32>
    %dot_general3A_531 = arith.constant dense<0.000000e+00> : vector<27x32xf32>
    %dot_general3A_532 = tpu.matmul %get3A_527, %get3A_530, %dot_general3A_531 {dimension_numbers = #tpu.dot_dimension_numbers<[0], [0], [1], [1], [0, 1, 1, 1], [], []>, transpose_lhs_hint = false} : vector<8x27xf32>, vector<8x32xf32>, vector<27x32xf32> -> vector<27x32xf32>
    %swap3A_533 = arith.constant 0 : index
    %swap3A_534 = arith.constant 20 : index
    %swap3A_535 = arith.constant 0 : index
    %swap3A_536 = arith.constant 0 : index
    %swap3A_537 = vector.load %arg20[%swap3A_533, %swap3A_534, %swap3A_535, %swap3A_536] : memref<1x27x27x32xf32, #tpu.memory_space<vmem>>, vector<1x1x27x32xf32>
    %swap3A_538 = vector.shape_cast %swap3A_537 : vector<1x1x27x32xf32> to vector<27x32xf32>
    %swap3A_539 = vector.shape_cast %dot_general3A_532 : vector<27x32xf32> to vector<1x1x27x32xf32>
    tpu.vector_store %arg20[%swap3A_533, %swap3A_534, %swap3A_535, %swap3A_536], %swap3A_539 {strides = array<i32>} : memref<1x27x27x32xf32, #tpu.memory_space<vmem>>, vector<1x1x27x32xf32>,
    %get3A_540 = arith.constant 0 : index
    %get3A_541 = arith.constant 0 : index
    %get3A_542 = arith.constant 21 : index
    %get3A_543 = arith.constant 0 : index
    %get3A_544 = vector.load %arg21[%get3A_540, %get3A_541, %get3A_542, %get3A_543] : memref<1x8x27x27xf32, #tpu.memory_space<vmem>>, vector<1x8x1x27xf32>
    %get3A_545 = vector.shape_cast %get3A_544 : vector<1x8x1x27xf32> to vector<8x27xf32>
    %get3A_546 = arith.constant 0 : index
    %get3A_547 = arith.constant 0 : index
    %get3A_548 = vector.load %arg15[%get3A_546, %get3A_547] : memref<8x32xf32, #tpu.memory_space<vmem>>, vector<8x32xf32>
    %dot_general3A_549 = arith.constant dense<0.000000e+00> : vector<27x32xf32>
    %dot_general3A_550 = tpu.matmul %get3A_545, %get3A_548, %dot_general3A_549 {dimension_numbers = #tpu.dot_dimension_numbers<[0], [0], [1], [1], [0, 1, 1, 1], [], []>, transpose_lhs_hint = false} : vector<8x27xf32>, vector<8x32xf32>, vector<27x32xf32> -> vector<27x32xf32>
    %swap3A_551 = arith.constant 0 : index
    %swap3A_552 = arith.constant 21 : index
    %swap3A_553 = arith.constant 0 : index
    %swap3A_554 = arith.constant 0 : index
    %swap3A_555 = vector.load %arg20[%swap3A_551, %swap3A_552, %swap3A_553, %swap3A_554] : memref<1x27x27x32xf32, #tpu.memory_space<vmem>>, vector<1x1x27x32xf32>
    %swap3A_556 = vector.shape_cast %swap3A_555 : vector<1x1x27x32xf32> to vector<27x32xf32>
    %swap3A_557 = vector.shape_cast %dot_general3A_550 : vector<27x32xf32> to vector<1x1x27x32xf32>
    tpu.vector_store %arg20[%swap3A_551, %swap3A_552, %swap3A_553, %swap3A_554], %swap3A_557 {strides = array<i32>} : memref<1x27x27x32xf32, #tpu.memory_space<vmem>>, vector<1x1x27x32xf32>,
    %get3A_558 = arith.constant 0 : index
    %get3A_559 = arith.constant 0 : index
    %get3A_560 = arith.constant 22 : index
    %get3A_561 = arith.constant 0 : index
    %get3A_562 = vector.load %arg21[%get3A_558, %get3A_559, %get3A_560, %get3A_561] : memref<1x8x27x27xf32, #tpu.memory_space<vmem>>, vector<1x8x1x27xf32>
    %get3A_563 = vector.shape_cast %get3A_562 : vector<1x8x1x27xf32> to vector<8x27xf32>
    %get3A_564 = arith.constant 0 : index
    %get3A_565 = arith.constant 0 : index
    %get3A_566 = vector.load %arg15[%get3A_564, %get3A_565] : memref<8x32xf32, #tpu.memory_space<vmem>>, vector<8x32xf32>
    %dot_general3A_567 = arith.constant dense<0.000000e+00> : vector<27x32xf32>
    %dot_general3A_568 = tpu.matmul %get3A_563, %get3A_566, %dot_general3A_567 {dimension_numbers = #tpu.dot_dimension_numbers<[0], [0], [1], [1], [0, 1, 1, 1], [], []>, transpose_lhs_hint = false} : vector<8x27xf32>, vector<8x32xf32>, vector<27x32xf32> -> vector<27x32xf32>
    %swap3A_569 = arith.constant 0 : index
    %swap3A_570 = arith.constant 22 : index
    %swap3A_571 = arith.constant 0 : index
    %swap3A_572 = arith.constant 0 : index
    %swap3A_573 = vector.load %arg20[%swap3A_569, %swap3A_570, %swap3A_571, %swap3A_572] : memref<1x27x27x32xf32, #tpu.memory_space<vmem>>, vector<1x1x27x32xf32>
    %swap3A_574 = vector.shape_cast %swap3A_573 : vector<1x1x27x32xf32> to vector<27x32xf32>
    %swap3A_575 = vector.shape_cast %dot_general3A_568 : vector<27x32xf32> to vector<1x1x27x32xf32>
    tpu.vector_store %arg20[%swap3A_569, %swap3A_570, %swap3A_571, %swap3A_572], %swap3A_575 {strides = array<i32>} : memref<1x27x27x32xf32, #tpu.memory_space<vmem>>, vector<1x1x27x32xf32>,
    %get3A_576 = arith.constant 0 : index
    %get3A_577 = arith.constant 0 : index
    %get3A_578 = arith.constant 23 : index
    %get3A_579 = arith.constant 0 : index
    %get3A_580 = vector.load %arg21[%get3A_576, %get3A_577, %get3A_578, %get3A_579] : memref<1x8x27x27xf32, #tpu.memory_space<vmem>>, vector<1x8x1x27xf32>
    %get3A_581 = vector.shape_cast %get3A_580 : vector<1x8x1x27xf32> to vector<8x27xf32>
    %get3A_582 = arith.constant 0 : index
    %get3A_583 = arith.constant 0 : index
    %get3A_584 = vector.load %arg15[%get3A_582, %get3A_583] : memref<8x32xf32, #tpu.memory_space<vmem>>, vector<8x32xf32>
    %dot_general3A_585 = arith.constant dense<0.000000e+00> : vector<27x32xf32>
    %dot_general3A_586 = tpu.matmul %get3A_581, %get3A_584, %dot_general3A_585 {dimension_numbers = #tpu.dot_dimension_numbers<[0], [0], [1], [1], [0, 1, 1, 1], [], []>, transpose_lhs_hint = false} : vector<8x27xf32>, vector<8x32xf32>, vector<27x32xf32> -> vector<27x32xf32>
    %swap3A_587 = arith.constant 0 : index
    %swap3A_588 = arith.constant 23 : index
    %swap3A_589 = arith.constant 0 : index
    %swap3A_590 = arith.constant 0 : index
    %swap3A_591 = vector.load %arg20[%swap3A_587, %swap3A_588, %swap3A_589, %swap3A_590] : memref<1x27x27x32xf32, #tpu.memory_space<vmem>>, vector<1x1x27x32xf32>
    %swap3A_592 = vector.shape_cast %swap3A_591 : vector<1x1x27x32xf32> to vector<27x32xf32>
    %swap3A_593 = vector.shape_cast %dot_general3A_586 : vector<27x32xf32> to vector<1x1x27x32xf32>
    tpu.vector_store %arg20[%swap3A_587, %swap3A_588, %swap3A_589, %swap3A_590], %swap3A_593 {strides = array<i32>} : memref<1x27x27x32xf32, #tpu.memory_space<vmem>>, vector<1x1x27x32xf32>,
    %get3A_594 = arith.constant 0 : index
    %get3A_595 = arith.constant 0 : index
    %get3A_596 = arith.constant 24 : index
    %get3A_597 = arith.constant 0 : index
    %get3A_598 = vector.load %arg21[%get3A_594, %get3A_595, %get3A_596, %get3A_597] : memref<1x8x27x27xf32, #tpu.memory_space<vmem>>, vector<1x8x1x27xf32>
    %get3A_599 = vector.shape_cast %get3A_598 : vector<1x8x1x27xf32> to vector<8x27xf32>
    %get3A_600 = arith.constant 0 : index
    %get3A_601 = arith.constant 0 : index
    %get3A_602 = vector.load %arg15[%get3A_600, %get3A_601] : memref<8x32xf32, #tpu.memory_space<vmem>>, vector<8x32xf32>
    %dot_general3A_603 = arith.constant dense<0.000000e+00> : vector<27x32xf32>
    %dot_general3A_604 = tpu.matmul %get3A_599, %get3A_602, %dot_general3A_603 {dimension_numbers = #tpu.dot_dimension_numbers<[0], [0], [1], [1], [0, 1, 1, 1], [], []>, transpose_lhs_hint = false} : vector<8x27xf32>, vector<8x32xf32>, vector<27x32xf32> -> vector<27x32xf32>
    %swap3A_605 = arith.constant 0 : index
    %swap3A_606 = arith.constant 24 : index
    %swap3A_607 = arith.constant 0 : index
    %swap3A_608 = arith.constant 0 : index
    %swap3A_609 = vector.load %arg20[%swap3A_605, %swap3A_606, %swap3A_607, %swap3A_608] : memref<1x27x27x32xf32, #tpu.memory_space<vmem>>, vector<1x1x27x32xf32>
    %swap3A_610 = vector.shape_cast %swap3A_609 : vector<1x1x27x32xf32> to vector<27x32xf32>
    %swap3A_611 = vector.shape_cast %dot_general3A_604 : vector<27x32xf32> to vector<1x1x27x32xf32>
    tpu.vector_store %arg20[%swap3A_605, %swap3A_606, %swap3A_607, %swap3A_608], %swap3A_611 {strides = array<i32>} : memref<1x27x27x32xf32, #tpu.memory_space<vmem>>, vector<1x1x27x32xf32>,
    %get3A_612 = arith.constant 0 : index
    %get3A_613 = arith.constant 0 : index
    %get3A_614 = arith.constant 25 : index
    %get3A_615 = arith.constant 0 : index
    %get3A_616 = vector.load %arg21[%get3A_612, %get3A_613, %get3A_614, %get3A_615] : memref<1x8x27x27xf32, #tpu.memory_space<vmem>>, vector<1x8x1x27xf32>
    %get3A_617 = vector.shape_cast %get3A_616 : vector<1x8x1x27xf32> to vector<8x27xf32>
    %get3A_618 = arith.constant 0 : index
    %get3A_619 = arith.constant 0 : index
    %get3A_620 = vector.load %arg15[%get3A_618, %get3A_619] : memref<8x32xf32, #tpu.memory_space<vmem>>, vector<8x32xf32>
    %dot_general3A_621 = arith.constant dense<0.000000e+00> : vector<27x32xf32>
    %dot_general3A_622 = tpu.matmul %get3A_617, %get3A_620, %dot_general3A_621 {dimension_numbers = #tpu.dot_dimension_numbers<[0], [0], [1], [1], [0, 1, 1, 1], [], []>, transpose_lhs_hint = false} : vector<8x27xf32>, vector<8x32xf32>, vector<27x32xf32> -> vector<27x32xf32>
    %swap3A_623 = arith.constant 0 : index
    %swap3A_624 = arith.constant 25 : index
    %swap3A_625 = arith.constant 0 : index
    %swap3A_626 = arith.constant 0 : index
    %swap3A_627 = vector.load %arg20[%swap3A_623, %swap3A_624, %swap3A_625, %swap3A_626] : memref<1x27x27x32xf32, #tpu.memory_space<vmem>>, vector<1x1x27x32xf32>
    %swap3A_628 = vector.shape_cast %swap3A_627 : vector<1x1x27x32xf32> to vector<27x32xf32>
    %swap3A_629 = vector.shape_cast %dot_general3A_622 : vector<27x32xf32> to vector<1x1x27x32xf32>
    tpu.vector_store %arg20[%swap3A_623, %swap3A_624, %swap3A_625, %swap3A_626], %swap3A_629 {strides = array<i32>} : memref<1x27x27x32xf32, #tpu.memory_space<vmem>>, vector<1x1x27x32xf32>,
    %get3A_630 = arith.constant 0 : index
    %get3A_631 = arith.constant 0 : index
    %get3A_632 = arith.constant 26 : index
    %get3A_633 = arith.constant 0 : index
    %get3A_634 = vector.load %arg21[%get3A_630, %get3A_631, %get3A_632, %get3A_633] : memref<1x8x27x27xf32, #tpu.memory_space<vmem>>, vector<1x8x1x27xf32>
    %get3A_635 = vector.shape_cast %get3A_634 : vector<1x8x1x27xf32> to vector<8x27xf32>
    %get3A_636 = arith.constant 0 : index
    %get3A_637 = arith.constant 0 : index
    %get3A_638 = vector.load %arg15[%get3A_636, %get3A_637] : memref<8x32xf32, #tpu.memory_space<vmem>>, vector<8x32xf32>
    %dot_general3A_639 = arith.constant dense<0.000000e+00> : vector<27x32xf32>
    %dot_general3A_640 = tpu.matmul %get3A_635, %get3A_638, %dot_general3A_639 {dimension_numbers = #tpu.dot_dimension_numbers<[0], [0], [1], [1], [0, 1, 1, 1], [], []>, transpose_lhs_hint = false} : vector<8x27xf32>, vector<8x32xf32>, vector<27x32xf32> -> vector<27x32xf32>
    %swap3A_641 = arith.constant 0 : index
    %swap3A_642 = arith.constant 26 : index
    %swap3A_643 = arith.constant 0 : index
    %swap3A_644 = arith.constant 0 : index
    %swap3A_645 = vector.load %arg20[%swap3A_641, %swap3A_642, %swap3A_643, %swap3A_644] : memref<1x27x27x32xf32, #tpu.memory_space<vmem>>, vector<1x1x27x32xf32>
    %swap3A_646 = vector.shape_cast %swap3A_645 : vector<1x1x27x32xf32> to vector<27x32xf32>
    %swap3A_647 = vector.shape_cast %dot_general3A_640 : vector<27x32xf32> to vector<1x1x27x32xf32>
    tpu.vector_store %arg20[%swap3A_641, %swap3A_642, %swap3A_643, %swap3A_644], %swap3A_647 {strides = array<i32>} : memref<1x27x27x32xf32, #tpu.memory_space<vmem>>, vector<1x1x27x32xf32>,
    %get3A_648 = arith.constant 0 : index
    %get3A_649 = arith.constant 0 : index
    %get3A_650 = arith.constant 0 : index
    %get3A_651 = vector.load %arg3[%get3A_648, %get3A_649, %get3A_650] : memref<1x27x729xf32, #tpu.memory_space<vmem>>, vector<1x27x729xf32>
    %get3A_652 = vector.shape_cast %get3A_651 : vector<1x27x729xf32> to vector<27x729xf32>
    %get3A_653 = arith.constant 0 : index
    %get3A_654 = arith.constant 0 : index
    %get3A_655 = arith.constant 0 : index
    %get3A_656 = vector.load %arg5[%get3A_653, %get3A_654, %get3A_655] : memref<1x1x729xf32, #tpu.memory_space<vmem>>, vector<1x1x729xf32>
    %get3A_657 = vector.shape_cast %get3A_656 : vector<1x1x729xf32> to vector<1x729xf32>
    %mul3A_658 = vector.broadcast %get3A_657 : vector<1x729xf32> to vector<27x729xf32>
    %mul3A_659 = arith.mulf %mul3A_658, %get3A_652 : vector<27x729xf32>
    %swap3A_660 = arith.constant 0 : index
    %swap3A_661 = arith.constant 0 : index
    %swap3A_662 = arith.constant 0 : index
    %swap3A_663 = vector.load %arg18[%swap3A_660, %swap3A_661, %swap3A_662] : memref<1x27x729xf32, #tpu.memory_space<vmem>>, vector<1x27x729xf32>
    %swap3A_664 = vector.shape_cast %swap3A_663 : vector<1x27x729xf32> to vector<27x729xf32>
    %swap3A_665 = vector.shape_cast %mul3A_659 : vector<27x729xf32> to vector<1x27x729xf32>
    tpu.vector_store %arg18[%swap3A_660, %swap3A_661, %swap3A_662], %swap3A_665 {strides = array<i32>} : memref<1x27x729xf32, #tpu.memory_space<vmem>>, vector<1x27x729xf32>,
    %get3A_666 = arith.constant 0 : index
    %get3A_667 = arith.constant 0 : index
    %get3A_668 = arith.constant 0 : index
    %get3A_669 = vector.load %arg7[%get3A_666, %get3A_667, %get3A_668] : memref<1x1x729xf32, #tpu.memory_space<vmem>>, vector<1x1x729xf32>
    %get3A_670 = vector.shape_cast %get3A_669 : vector<1x1x729xf32> to vector<1x729xf32>
    %mul3A_671 = vector.broadcast %get3A_670 : vector<1x729xf32> to vector<27x729xf32>
    %mul3A_672 = arith.mulf %mul3A_671, %get3A_652 : vector<27x729xf32>
    %swap3A_673 = arith.constant 0 : index
    %swap3A_674 = arith.constant 0 : index
    %swap3A_675 = arith.constant 0 : index
    %swap3A_676 = vector.load %arg19[%swap3A_673, %swap3A_674, %swap3A_675] : memref<1x27x729xf32, #tpu.memory_space<vmem>>, vector<1x27x729xf32>
    %swap3A_677 = vector.shape_cast %swap3A_676 : vector<1x27x729xf32> to vector<27x729xf32>
    %swap3A_678 = vector.shape_cast %mul3A_672 : vector<27x729xf32> to vector<1x27x729xf32>
    tpu.vector_store %arg19[%swap3A_673, %swap3A_674, %swap3A_675], %swap3A_678 {strides = array<i32>} : memref<1x27x729xf32, #tpu.memory_space<vmem>>, vector<1x27x729xf32>,
    %iota3A_679 = tpu.iota {dimensions = array<i32: 1>} : vector<1x2000xi32>
    %get3A_680 = arith.constant 0 : index
    %get3A_681 = arith.constant 0 : index
    %get3A_682 = arith.constant 0 : index
    %get3A_683 = vector.load %arg2[%get3A_680, %get3A_681, %get3A_682] : memref<1x1x1xi32, #tpu.memory_space<vmem>>, vector<1x1x1xi32>
    %get3A_684 = vector.shape_cast %get3A_683 : vector<1x1x1xi32> to vector<1x1xi32>
    %eq3A_685 = vector.broadcast %get3A_684 : vector<1x1xi32> to vector<1x2000xi32>
    %eq3A_686 = arith.cmpi eq, %iota3A_679, %eq3A_685 : vector<1x2000xi32>
    %convert_element_type3A_687 = arith.extui %eq3A_686 : vector<1x2000xi1> to vector<1x2000xi32>
    %convert_element_type3A_688 = arith.sitofp %convert_element_type3A_687 : vector<1x2000xi32> to vector<1x2000xf32>
    %get3A_689 = arith.constant 0 : index
    %get3A_690 = arith.constant 0 : index
    %get3A_691 = vector.load %arg14[%get3A_689, %get3A_690] : memref<2000x20xf32, #tpu.memory_space<vmem>>, vector<2000x20xf32>
    %dot_general3A_692 = arith.constant dense<0.000000e+00> : vector<1x20xf32>
    %dot_general3A_693 = tpu.matmul %convert_element_type3A_688, %get3A_691, %dot_general3A_692 {dimension_numbers = #tpu.dot_dimension_numbers<[1], [0], [0], [1], [0, 0, 1, 1], [], []>, transpose_lhs_hint = false} : vector<1x2000xf32>, vector<2000x20xf32>, vector<1x20xf32> -> vector<1x20xf32>
    %swap3A_694 = arith.constant 0 : index
    %swap3A_695 = arith.constant 0 : index
    %swap3A_696 = arith.constant 0 : index
    %swap3A_697 = vector.load %arg24[%swap3A_694, %swap3A_695, %swap3A_696] : memref<1x1x20xf32, #tpu.memory_space<vmem>>, vector<1x1x20xf32>
    %swap3A_698 = vector.shape_cast %swap3A_697 : vector<1x1x20xf32> to vector<1x20xf32>
    %swap3A_699 = vector.shape_cast %dot_general3A_693 : vector<1x20xf32> to vector<1x1x20xf32>
    tpu.vector_store %arg24[%swap3A_694, %swap3A_695, %swap3A_696], %swap3A_699 {strides = array<i32>} : memref<1x1x20xf32, #tpu.memory_space<vmem>>, vector<1x1x20xf32>,
    return
  }
  func.func @transform_0(%arg0: i32) -> (i32, i32, i32) {
    %c0_i32 = arith.constant 0 : i32
    %c0_i32_0 = arith.constant 0 : i32
    %c0_i32_1 = arith.constant 0 : i32
    return %arg0, %c0_i32, %c0_i32_0 : i32, i32, i32
  }
  func.func @transform_1(%arg0: i32) -> (i32, i32, i32) {
    %c0_i32 = arith.constant 0 : i32
    %c0_i32_0 = arith.constant 0 : i32
    %c0_i32_1 = arith.constant 0 : i32
    return %arg0, %c0_i32, %c0_i32_0 : i32, i32, i32
  }
  func.func @transform_2(%arg0: i32) -> (i32, i32, i32) {
    %c0_i32 = arith.constant 0 : i32
    %c0_i32_0 = arith.constant 0 : i32
    %c0_i32_1 = arith.constant 0 : i32
    return %arg0, %c0_i32, %c0_i32_0 : i32, i32, i32
  }
  func.func @transform_3(%arg0: i32) -> (i32, i32, i32) {
    %c0_i32 = arith.constant 0 : i32
    %c0_i32_0 = arith.constant 0 : i32
    %c0_i32_1 = arith.constant 0 : i32
    return %arg0, %c0_i32, %c0_i32_0 : i32, i32, i32
  }
  func.func @transform_4(%arg0: i32) -> (i32, i32, i32) {
    %c0_i32 = arith.constant 0 : i32
    %c0_i32_0 = arith.constant 0 : i32
    %c0_i32_1 = arith.constant 0 : i32
    return %arg0, %c0_i32, %c0_i32_0 : i32, i32, i32
  }
  func.func @transform_5(%arg0: i32) -> (i32, i32, i32) {
    %c0_i32 = arith.constant 0 : i32
    %c0_i32_0 = arith.constant 0 : i32
    %c0_i32_1 = arith.constant 0 : i32
    return %arg0, %c0_i32, %c0_i32_0 : i32, i32, i32
  }
  func.func @transform_6(%arg0: i32) -> (i32, i32, i32) {
    %c0_i32 = arith.constant 0 : i32
    %c0_i32_0 = arith.constant 0 : i32
    %c0_i32_1 = arith.constant 0 : i32
    return %arg0, %c0_i32, %c0_i32_0 : i32, i32, i32
  }
  func.func @transform_7(%arg0: i32) -> (i32, i32, i32) {
    %c0_i32 = arith.constant 0 : i32
    %c0_i32_0 = arith.constant 0 : i32
    %c0_i32_1 = arith.constant 0 : i32
    return %arg0, %c0_i32, %c0_i32_0 : i32, i32, i32
  }
  func.func @transform_8(%arg0: i32) -> (i32, i32, i32) {
    %c0_i32 = arith.constant 0 : i32
    %c0_i32_0 = arith.constant 0 : i32
    %c0_i32_1 = arith.constant 0 : i32
    return %arg0, %c0_i32, %c0_i32_0 : i32, i32, i32
  }
  func.func @transform_9(%arg0: i32) -> (i32, i32, i32) {
    %c0_i32 = arith.constant 0 : i32
    %c0_i32_0 = arith.constant 0 : i32
    %c0_i32_1 = arith.constant 0 : i32
    return %arg0, %c0_i32, %c0_i32_0 : i32, i32, i32
  }
  func.func @transform_10(%arg0: i32) -> (i32, i32, i32) {
    %c0_i32 = arith.constant 0 : i32
    %c0_i32_0 = arith.constant 0 : i32
    %c0_i32_1 = arith.constant 0 : i32
    return %arg0, %c0_i32, %c0_i32_0 : i32, i32, i32
  }
  func.func @transform_11(%arg0: i32) -> (i32, i32, i32) {
    %c0_i32 = arith.constant 0 : i32
    %c0_i32_0 = arith.constant 0 : i32
    %c0_i32_1 = arith.constant 0 : i32
    return %arg0, %c0_i32, %c0_i32_0 : i32, i32, i32
  }
  func.func @transform_12(%arg0: i32) -> (i32, i32, i32) {
    %c0_i32 = arith.constant 0 : i32
    %c0_i32_0 = arith.constant 0 : i32
    %c0_i32_1 = arith.constant 0 : i32
    return %arg0, %c0_i32, %c0_i32_0 : i32, i32, i32
  }
  func.func @transform_13(%arg0: i32) -> (i32, i32) {
    %c0_i32 = arith.constant 0 : i32
    %c0_i32_0 = arith.constant 0 : i32
    %c0_i32_1 = arith.constant 0 : i32
    return %c0_i32, %c0_i32_0 : i32, i32
  }
  func.func @transform_14(%arg0: i32) -> (i32, i32) {
    %c0_i32 = arith.constant 0 : i32
    %c0_i32_0 = arith.constant 0 : i32
    %c0_i32_1 = arith.constant 0 : i32
    return %c0_i32, %c0_i32_0 : i32, i32
  }
  func.func @transform_15(%arg0: i32) -> (i32, i32) {
    %c0_i32 = arith.constant 0 : i32
    %c0_i32_0 = arith.constant 0 : i32
    %c0_i32_1 = arith.constant 0 : i32
    return %c0_i32, %c0_i32_0 : i32, i32
  }
  func.func @transform_16(%arg0: i32) -> (i32, i32) {
    %c0_i32 = arith.constant 0 : i32
    %c0_i32_0 = arith.constant 0 : i32
    %c0_i32_1 = arith.constant 0 : i32
    return %c0_i32, %c0_i32_0 : i32, i32
  }
  func.func @transform_17(%arg0: i32) -> (i32, i32, i32) {
    %c0_i32 = arith.constant 0 : i32
    %c0_i32_0 = arith.constant 0 : i32
    %c0_i32_1 = arith.constant 0 : i32
    return %arg0, %c0_i32, %c0_i32_0 : i32, i32, i32
  }
  func.func @transform_18(%arg0: i32) -> (i32, i32, i32) {
    %c0_i32 = arith.constant 0 : i32
    %c0_i32_0 = arith.constant 0 : i32
    %c0_i32_1 = arith.constant 0 : i32
    return %arg0, %c0_i32, %c0_i32_0 : i32, i32, i32
  }
  func.func @transform_19(%arg0: i32) -> (i32, i32, i32, i32) {
    %c0_i32 = arith.constant 0 : i32
    %c0_i32_0 = arith.constant 0 : i32
    %c0_i32_1 = arith.constant 0 : i32
    %c0_i32_2 = arith.constant 0 : i32
    return %arg0, %c0_i32, %c0_i32_0, %c0_i32_1 : i32, i32, i32, i32
  }
  func.func @transform_20(%arg0: i32) -> (i32, i32, i32, i32) {
    %c0_i32 = arith.constant 0 : i32
    %c0_i32_0 = arith.constant 0 : i32
    %c0_i32_1 = arith.constant 0 : i32
    %c0_i32_2 = arith.constant 0 : i32
    return %arg0, %c0_i32, %c0_i32_0, %c0_i32_1 : i32, i32, i32, i32
  }
  func.func @transform_21(%arg0: i32) -> (i32, i32, i32, i32) {
    %c0_i32 = arith.constant 0 : i32
    %c0_i32_0 = arith.constant 0 : i32
    %c0_i32_1 = arith.constant 0 : i32
    %c0_i32_2 = arith.constant 0 : i32
    return %arg0, %c0_i32, %c0_i32_0, %c0_i32_1 : i32, i32, i32, i32
  }
  func.func @transform_22(%arg0: i32) -> (i32, i32, i32) {
    %c0_i32 = arith.constant 0 : i32
    %c0_i32_0 = arith.constant 0 : i32
    %c0_i32_1 = arith.constant 0 : i32
    return %arg0, %c0_i32, %c0_i32_0 : i32, i32, i32
  }
  func.func @transform_23(%arg0: i32) -> (i32, i32, i32) {
    %c0_i32 = arith.constant 0 : i32
    %c0_i32_0 = arith.constant 0 : i32
    %c0_i32_1 = arith.constant 0 : i32
    return %arg0, %c0_i32, %c0_i32_0 : i32, i32, i32
  }
}

</mosaic_0001>

<sc_bundles>
// kernel: sparse-core-data-format-call.cloned.1.call-start
scs
called_computation_lowered:
.L_overlay_start_0:
0x0: {  	s2 =	sld [smem:$0x3FD9]  }
0x1: {  	s3 =	sld [smem:$0x3FFE];
	_ =	sdelay $0x1  }
0x2: {  	s1 =	srdreg.scid  }
0x3: {  	s0 =	sand.u32 $0x1, s1  }
0x4: {  	s15 =	sshll.u32 s0, $0xA;
	s2 =	sadd.s32 s3, s2  }
0x5: {  	s2 =	sadd.s32 s2, s15  }
0x6: {  	[smem:$0x3FB7] =	sst s2  }
0x7: {  	_ = 	snop  }
0x8: {  	s2 =	sld [smem:$0x3FD0];
	_ =	sdelay $0x2  }
0x9: {  	s16 =	simm.s32 $0xA;
	s4 =	simm.s32 $0x10  }
0xa: {  	[smem:s4], [sflag:s16] =	dma.local [hbm:s2], $0x1  }
0xb: {  	_ =	swait.eq [sflag:s16], $0x1  }
0xc: {  	[sflag:s16] =	ssyncset.done $0x0  }
0xd: {  	[sflag:s16] =	ssyncadd.s32 $0xFFFFFFFF  }
0xe: {  	s17 =	sld [smem:$0x11];
	(tm) =	ssettm $0x1  }
0xf: {  	s18 =	sld [smem:$0x3FFB];
	_ =	sdelay $0x3  }
0x10: {  	_ =	strace s18  }
0x11: {  	s3 =	sld [smem:$0x3FFC];
	_ =	sdelay $0x3  }
0x12: {  	_ =	strace s3  }
0x13: {  	s3 =	sld [smem:$0x3FFD];
	_ =	sdelay $0x3  }
0x14: {  	_ =	strace s3  }
0x15: {  	_ =	strace $0x8FFFFFFF  }
0x16: {  	s19 =	sld [smem:$0x3FDB];
	_ =	sdelay $0x1  }
0x17: {  	s20 =	simm.s32 $_scs_section_size  }
0x18: {  	s5 =	simm.s32 $_size__tile_overlayer_lowered;
	s6 =	simm.s32 $_tile_overlayer_lowered  }
0x19: {  	s23 =	simm.s32 $0x1BFF;
	s22 =	sshll.u32 s6, $0x1;
	s3 =	sadd.s32 s20, s19  }
0x1a: {  	s7 =	simm.s32 $0x0;
	s21 =	sshll.u32 s5, $0x1;
	s5 =	sadd.s32 s22, s3  }
0x1b: {  	[timem:s7], [sflag:s23] =	dma.local [hbm:s5], s21  }
0x1c: {  	_ =	swait.ge [sflag:s23], s21  }
0x1d: {  	s4 =	ssub.s32 $0x0, s21;
	[sflag:s23] =	ssyncset.done $0x0  }
0x1e: {  	[sflag:s23] =	ssyncadd.s32 s4;
	_ =	sdelay $0x1  }
0x1f: {  	s24 =	simm.s32 $0x1B8B  }
0x20: {  	_ =	swait.ge [sflag:s24], $0x1  }
0x21: {  	[sflag:s24] =	ssyncset.done $0x0  }
0x22: {  	s26 =	simm.s32 $0x1B8E;
	s25 =	sld [smem:$0x3FFE];
	[sflag:s24] =	ssyncadd.s32 $0xFFFFFFFF  }
0x23: {  	s27 =	simm.s32 $execute0_lowered;
	[smem:$0x3FD2] =	sst s26  }
0x24: {  	s5 =	sshll.u32 s27, $0x1;
	_ =	strace $0x80000046;
	[dreg:$0x1] =	wrdreg $0xFFFFFFFF  }
0x25: {  	s28 =	simm.s32 $_size_execute0_lowered;
	s3 =	sadd.s32 s3, s5;
	[dreg:$0x0] =	wrdreg $0x0  }
0x26: {  	s5 =	sshll.u32 s28, $0x1;
	[dreg:$0x2] =	wrdreg s3  }
0x27: {  	[dreg:$0x3] =	wrdreg s5  }
0x28: {  	[dreg:$0x4] =	wrdreg $0xC0  }
0x29: {  	_ =	task [dreg:s7], $0x5FFFF  }
0x2a: {  	[dreg:$0x1] =	wrdreg $0xFFFFFFFF  }
0x2b: {  	[dreg:$0x0] =	wrdreg $0x60  }
0x2c: {  	[dreg:$0x2] =	wrdreg s25  }
0x2d: {  	[dreg:$0x3] =	wrdreg s17  }
0x2e: {  	[dreg:$0x4] =	wrdreg $0x9  }
0x2f: {  	_ =	task.clear_ibuf [dreg:s7], $0x5FFFF;
	_ =	strace $0x90000046  }
0x30: {  	s29 =	simm.s32 $0x9;
	_ =	strace $0x80000048  }
0x31: {  	_ =	swait.ge [sflag:s29], $0x1  }
0x32: {  	[sflag:s29] =	ssyncadd.s32 $0xFFFFFFFF  }
0x33: {  	_ =	strace $0x90000048  }
0x34: {  	_ =	sfence  }
0x35: {  	s30 =	sld [smem:$0x0];
	_ =	sdelay $0x2  }
0x36: {  	s31 =	sshll.u32 s1, $0xD;
	s1 =	sshrl.u32 s1, $0x2  }
0x37: {  	s3 =	sand.u32 $0x4000, s31;
	s1 =	sadd.s32 s1, s30  }
0x38: {  	s0 =	sor.u32 s3, s0;
	s1 =	sshll.u32 s1, $0x11  }
0x39: {  	s0 =	sor.u32 s1, s0  }
0x3a: {  	s0 =	sadd.s32 $0x8F2B, s0  }
0x3b: {  	[sflag:s0] =	ssyncadd.remote.s32 $0x1  }
0x3c: {  	_ =	sfence.sel $0xFFFF  }
0x3d: {  	[dreg:$0x0] =	wrdreg $0xFFFFFFFF;
	(pc) =	sbr.abs _section_cstart, $3  }
0x3e: {  	[dreg:$0x1] =	wrdreg $0xFFFFFFFF  }
0x3f: {  	_ =	task.clear_ibuf [dreg:s7], $0x2FFFF;
	_ =	strace $0x9FFFFFFF  }
0x40: {  	(tm) =	ssettm $0x7FFFFFFF  }
0x41: {  	_ =	shalt  }
tec
execute0_lowered:
.L_overlay_start_1:
0x0: {  	(tag) =	ssettag $0x1  }
0x1: {  	s0 =	srdreg.scid;
	s6 =	rddreg [dreg:$0x0]  }
0x2: {  	s3 =	rddreg [dreg:$0x1];
	s1 =	sshll.u32 s0, $0x4  }
0x3: {  	s7 =	simm.s32 $0x2;
	s0 =	stileid.u32;
	s1 =	sand.u32 $0x10, s1  }
0x4: {  	s16 =	simm.s32 $0x0;
	s8 =	simm.s32 $0x20;
	s2 =	sor.u32 s0, s1  }
0x5: {  	s9 =	simm.s32 $0x80;
	s10 =	simm.s32 $0x0;
	s4 =	ssub.s32 $0x1B, s2  }
0x6: {  	s17 =	simm.s32 $0x0;
	s18 =	simm.s32 $0x0;
	p0 =	sgt.s32 s4, $0x0  }
0x7: {  	s19 =	simm.s32 $0x0;
	s11 =	simm.s32 $0x0;
	s4 =	simm.s32 @!p0 $0x0  }
.Ltmp0:
0x8: {  	s12 =	simm.s32 $0x0;
	s5 =	sadd.s32 $0x1F, s4;
	(pc) =	sbr.rel .LBB1_1-.Ltmp0, $4  }
0x9: {  	s14 =	simm.s32 $0x0;
	s1 =	rddreg [dreg:$0x2];
	s5 =	sshrl.u32 s5, $0x5  }
0xa: {  	_ =	strace $0x80000047;
	s4 =	simm.s32 $0x1;
	s5 =	smul.u32 $0x2D9, s5  }
0xb: {  	s15 =	simm.s32 $0x0;
	s6 =	sadd.s32 $0x2600, s6;
	[sflag:s4] =	ssyncpa.u1 $0x0  }
0xc: {  	s13 =	smov.u32 s2;
	[sflag:s7] =	ssyncpa.u1 $0x0;
	s7 =	sadd.s32 $0x1, s5  }
.LBB1_4:
0xd: {  	s18 =	smul.u32 $0x5B200, s18  }
0xe: {  	s19 =	sshll.u32 s19, $0x4  }
0xf: {  	s17 =	smul.u32 $0x3600, s17;
	s19 =	sand.u32 $0x1F0, s19;
	s18 =	sadd.s32 s3, s18  }
0x10: {  	s18 =	sadd.s32 s19, s18  }
0x11: {  	[tilespmem:v0+s20+$0x10 ss:$0x1] =	vst.idx.msk $0xffff, v2;
	s16 =	sshll.u32 s16, $0x9;
	s17 =	sadd.s32 s17, s18  }
0x12: {  	[tilespmem:v0+s20+$0x0 ss:$0x1] =	vst.idx.msk $0xffff, v3;
	s16 =	sadd.s32 s16, s17  }
0x13: {  	[hbm4b:s16+s8] =	stream.strided.scatter [tilespmem:s21], [sflag:$0x2], $0x400, s9, s8, $0x38;
	[tilespmem:$0x1000] =	vst v63  }
.LBB1_5:
0x14: {  	s20 =	sadd.s32 $0x1, s11  }
0x15: {  	s16 =	simm.s32 $0x1;
	p1 =	sgt.s32 s20, $0x1A  }
0x16: {  	s16 =	simm.s32 @!p1 $0x0  }
0x17: {  	s21 =	sadd.s32 s16, s12  }
0x18: {  	s22 =	smov.u32 s13;
	s16 =	sadd.s32 $0x20, s13;
	p2 =	sgt.s32 s21, $0x1A  }
0x19: {  	s22 =	smov.u32 @p2 s16  }
0x1a: {  	s23 =	smov.u32 s14;
	s16 =	sadd.s32 $0x20, s14;
	p3 =	sgt.s32 s22, $0x1A  }
0x1b: {  	p0 =	slt.u32 s15, $0x2;
	s23 =	smov.u32 @p3 s16  }
0x1c: {  	s17 =	smov.u32 s12;
	s20 =	simm.s32 @p1 $0x0;
	p1 =	sgt.s32 s23, $0x1F  }
0x1d: {  	s24 =	simm.s32 @!p0 $0x2;
	s23 =	simm.s32 @p1 $0x0;
	p1 =	sne.s32 s15, s7  }
.Ltmp1:
0x1e: {  	s18 =	smov.u32 s13;
	_ =	swait.ge @!p0 [sflag:s24], $0x400;
	(pc) =	sbr.rel @!p1 .LBB1_6-.Ltmp1, $4  }
0x1f: {  	s19 =	smov.u32 s14;
	[sflag:s24] =	ssyncset.done @!p0 $0x0;
	s21 =	simm.s32 @p2 $0x0  }
0x20: {  	s10 =	sadd.s32 $0x400, s10;
	[sflag:s24] =	ssyncadd.s32 @!p0 $0xFFFFFC00;
	s12 =	smov.u32 s21  }
0x21: {  	s22 =	smov.u32 @p3 s2;
	s16 =	smov.u32 s11;
	s11 =	smov.u32 s20  }
0x22: {  	s13 =	smov.u32 s22;
	s15 =	sadd.s32 $0x1, s15;
	s14 =	smov.u32 s23  }
.LBB1_1:
0x23: {  	p0 =	sge.u32 s15, s5  }
0x24: {  	s20 =	smul.u32 @!p0 $0x5B200, s14  }
0x25: {  	s31 =	sadd.s32 $0xFFFFFFFF, s15;
	s22 =	smul.u32 @!p0 $0x3600, s13  }
0x26: {  	s21 =	sxor.u32 @!p0 $0xFFFFFFFF, s15;
	s23 =	sshll.u32 @!p0 s12, $0x9;
	s20 =	sadd.s32 @!p0 s6, s20  }
0x27: {  	s24 =	sshll.u32 @!p0 s11, $0x4;
	s21 =	sshll.u32 @!p0 s21, $0xA;
	s20 =	sadd.s32 @!p0 s22, s20  }
0x28: {  	s21 =	sand.u32 @!p0 $0x400, s21;
	s22 =	sand.u32 @!p0 $0x1F0, s24;
	s20 =	sadd.s32 @!p0 s23, s20  }
0x29: {  	s23 =	simm.s32 @!p0 $0x2D9000;
	s20 =	sadd.s32 @!p0 s22, s20;
	s22 =	simm.s32 @!p0 $0x20  }
0x2a: {  	[tilespmem:s21], [sflag:$0x1] =	stream.strided.gather @!p0 [hbm4b:s20+s22], $0x400, s23, s22, $0x38;
	[tilespmem:$0x1000] =	vst v63  }
0x2b: {  	p0 =	sge.u32 s31, s5  }
.Ltmp2:
0x2c: {  	_ = 	snop;
	(pc) =	sbr.rel @p0 .LBB1_5-.Ltmp2, $1  }
0x2d: {  	_ =	sdelay $0x3  }
0x2e: {  	s21 =	sand.u32 $0x400, s10  }
0x2f: {  	v1 =	vmov s21;
	_ =	sdelay $0x1  }
0x30: {  	_ =	swait.ge [sflag:s4], $0x400  }
0x31: {  	[sflag:s4] =	ssyncset.done $0x0  }
0x32: {  	s22 =	sshll.u32 s15, $0xA;
	s20 =	simm.s32 $0x0;
	[sflag:s4] =	ssyncadd.s32 $0xFFFFFC00  }
0x33: {  	s23 =	sor.u32 $0x800, s21;
	s31 =	sand.u32 $0x400, s22;
	v2 =	vld.idx.msk [tilespmem:v1+s20+$0x10 ss:$0x1], $0xffff  }
0x34: {  	s22 =	simm.s32 $0x80;
	s21 =	sor.u32 $0x800, s31;
	v0 =	vmov s23;
	v3 =	vld.idx.msk [tilespmem:v1+s20+$0x0 ss:$0x1], $0xffff  }
.LBB1_3:
0x35: {  	p0 =	sne.s32 s22, $0xF80  }
.Ltmp3:
0x36: {  	_ = 	snop;
	(pc) =	sbr.rel @p0 .LBB1_3-.Ltmp3, $4  }
0x37: {  	_ = 	snop  }
0x38: {  	s23 =	sshra.s32 s22, $0x2;
	s22 =	sadd.s32 $0x80, s22  }
0x39: {  	[tilespmem:v0+s20+$0x10 ss:$0x1] =	vst.idx.msk $0xffff, v2;
	v2 =	vld.idx.msk [tilespmem:v1+s23+$0x10 ss:$0x1], $0xffff  }
0x3a: {  	[tilespmem:v0+s20+$0x0 ss:$0x1] =	vst.idx.msk $0xffff, v3;
	v3 =	vld.idx.msk [tilespmem:v1+s23+$0x0 ss:$0x1], $0xffff;
	s20 =	smov.u32 s23  }
.Ltmp4:
0x3b: {  	_ = 	snop;
	(pc) =	sbr.rel .LBB1_4-.Ltmp4, $1  }
0x3c: {  	_ =	sdelay $0x3  }
.LBB1_6:
0x3d: {  	_ =	sfence.sel $0x180000  }
0x3e: {  	s2 =	simm.s32 $0x1;
	[bflag:$0x0] =	sbarrier.arrive $0xFFFF  }
0x3f: {  	s31 =	simm.s32 $0x2;
	[sflag:s2] =	ssyncpa.u1 $0x1  }
0x40: {  	[sflag:s31] =	ssyncpa.u1 $0x1  }
0x41: {  	p0 =	sne.s32 s0, $0x0;
	_ =	strace $0x90000047  }
0x42: {  	s0 =	sadd.s32 @!p0 $0x100000, s1;
	[bflag:$0x2] =	sbarrier.arrive $0xFFFF  }
0x43: {  	[sflag:s0] =	ssyncadd.tile.s32 @!p0 $0x1;
	_ =	shalt  }
.Lfunc_end1:
_tile_overlayer_lowered:
.L_overlay_start_2:
0x44: {  	(tag) =	ssettag $0x2  }
0x45: {  	s0 =	rddreg [dreg:$0x0];
	s2 =	stileid.u32  }
0x46: {  	s1 =	rddreg [dreg:$0x1];
	p0 =	sne.s32 s2, $0x0  }
0x47: {  	s3 =	rddreg [dreg:$0x2];
	[bflag:$0x3] =	sbarrier.arrive $0xFFFF;
	s2 =	simm.s32 @!p0 $0x1C01  }
0x48: {  	[timem:s3], [sflag:s2] =	dma.local @!p0 [hbm:s0], s1  }
0x49: {  	s0 =	simm.s32 @!p0 $0x1  }
0x4a: {  	_ =	swait.ge @!p0 [sflag:s0], s1  }
0x4b: {  	s1 =	ssub.s32 @!p0 $0x0, s1;
	[sflag:s0] =	ssyncset.done @!p0 $0x0  }
0x4c: {  	[sflag:s0] =	ssyncadd.s32 @!p0 s1  }
0x4d: {  	[bflag:$0x3] =	sbarrier.arrive $0xFFFF  }
0x4e: {  	_ =	shalt  }

</sc_bundles>
